<compile_context>
chip_gen: v7x
topology: tpu7x:2x2x1
jax: 0.10.2.dev20260603
libtpu: 0.0.44.dev20260713+nightly
codegen_flags: <defaults>
</compile_context>

<pallas_src>
import functools

import jax
import jax.numpy as jnp
from jax import lax
from jax.experimental import pallas as pl
from jax.experimental.pallas import tpu as pltpu
from jax.experimental.pallas import tpu_sc as plsc

_NUM_WORDS = 1000
_NUM_BUCKETS = 100000
_EMB = 64
_BATCH = 16384
_NUM_NEG = 4
_NOUT = 1 + _NUM_NEG
_HASH_A = (92821, 48271)
_HASH_B = (1013, 2029)

_WPAD = 1024
_NC, _NS = 2, 16
_NW = _NC * _NS
_BPW = _BATCH // _NW
_WPT = _WPAD // _NS
_NGRP = _BPW // 16


def _hash_ids(v):
    return (v * 1000003 + 12345) % _NUM_WORDS


def _sc_body(t_emb, t_imp, c_emb, c_imp, tgt, ctx, neg,
             out,
             tbl, we_t, rows, chunk, ids_v, neg_v, outv, idx_v, imp_v,
             wt_sp, wc_sp, sem):
    cid = lax.axis_index("c")
    sid = lax.axis_index("s")
    wid = cid * _NS + sid
    base = wid * _BPW
    wbase = sid * _WPT
    iota = lax.iota(jnp.int32, 16)

    for emb_hbm, imp_hbm, sp in ((t_emb, t_imp, wt_sp), (c_emb, c_imp, wc_sp)):
        for ch in range(8):
            pos = ch * 16 + iota
            w = wbase + (pos >> 1)
            even = (pos % 2) == 0
            a = jnp.where(even, jnp.full((16,), _HASH_A[0], jnp.int32),
                          jnp.full((16,), _HASH_A[1], jnp.int32))
            b = jnp.where(even, jnp.full((16,), _HASH_B[0], jnp.int32),
                          jnp.full((16,), _HASH_B[1], jnp.int32))
            idx_v[pl.ds(ch * 16, 16)] = (w * a + b) % _NUM_BUCKETS
        pltpu.async_copy(emb_hbm.at[idx_v], rows, sem).wait()
        pltpu.sync_copy(imp_hbm.at[pl.ds(wbase, _WPT), :], imp_v)

        def build_one(i, _):
            iv = jnp.full((16,), i, jnp.int32)
            z = jnp.zeros((16,), jnp.int32)
            f0 = plsc.load_gather(imp_v, [iv, z])
            f1 = plsc.load_gather(imp_v, [iv, z + 1])
            for sl in range(4):
                v = (f0 * rows[2 * i, pl.ds(sl * 16, 16)]
                     + f1 * rows[2 * i + 1, pl.ds(sl * 16, 16)])
                chunk[i, pl.ds(sl * 16, 16)] = v
            return 0

        lax.fori_loop(0, _WPT, build_one, 0)
        pltpu.sync_copy(chunk, sp.at[pl.ds(wbase, _WPT), :])

    plsc.subcore_barrier()

    pltpu.sync_copy(wt_sp, tbl)
    pltpu.sync_copy(tgt.at[pl.ds(base, _BPW)], ids_v)

    def tgt_group(g, _):
        t = _hash_ids(ids_v[pl.ds(g * 16, 16)])

        def ebody(e, _):
            ev = jnp.full((16,), e, jnp.int32)
            wev = plsc.load_gather(tbl, [t, ev])
            we_t[pl.ds(e * _BPW + g * 16, 16)] = wev
            return 0

        lax.fori_loop(0, _EMB, ebody, 0)
        return 0

    lax.fori_loop(0, _NGRP, tgt_group, 0)

    pltpu.sync_copy(wc_sp, tbl)
    pltpu.sync_copy(ctx.at[pl.ds(base, _BPW)], ids_v)
    pltpu.sync_copy(neg.at[pl.ds(base * _NUM_NEG, _BPW * _NUM_NEG)], neg_v)

    def ctx_group(g, _):
        rel = g * 16 + iota
        cids = [_hash_ids(ids_v[pl.ds(g * 16, 16)])]
        for j in range(_NUM_NEG):
            cids.append(plsc.load_gather(neg_v, [rel * _NUM_NEG + j]))

        def ebody(e, accs):
            ev = jnp.full((16,), e, jnp.int32)
            wev = we_t[pl.ds(e * _BPW + g * 16, 16)]
            return tuple(acc + plsc.load_gather(tbl, [c, ev]) * wev
                         for acc, c in zip(accs, cids))

        zero = jnp.zeros((16,), jnp.float32)
        accs = lax.fori_loop(0, _EMB, ebody, (zero,) * _NOUT)
        for j in range(_NOUT):
            plsc.store_scatter(outv, [rel * _NOUT + j], accs[j])
        return 0

    lax.fori_loop(0, _NGRP, ctx_group, 0)
    pltpu.sync_copy(outv, out.at[pl.ds(wid * _BPW * _NOUT, _BPW * _NOUT)])


_launch = functools.partial(
    pl.kernel,
    out_type=jax.ShapeDtypeStruct((_BATCH * _NOUT,), jnp.float32),
    mesh=plsc.VectorSubcoreMesh(core_axis_name="c", subcore_axis_name="s"),
    compiler_params=pltpu.CompilerParams(use_tc_tiling_on_sc=False,
                                         needs_layout_passes=False),
    scratch_types=[
        pltpu.VMEM((_WPAD, _EMB), jnp.float32),
        pltpu.VMEM((_BPW * _EMB,), jnp.float32),
        pltpu.VMEM((2 * _WPT, _EMB), jnp.float32),
        pltpu.VMEM((_WPT, _EMB), jnp.float32),
        pltpu.VMEM((_BPW,), jnp.int32),
        pltpu.VMEM((_BPW * _NUM_NEG,), jnp.int32),
        pltpu.VMEM((_BPW * _NOUT,), jnp.float32),
        pltpu.VMEM((2 * _WPT,), jnp.int32),
        pltpu.VMEM((_WPT, 2), jnp.float32),
        pltpu.VMEM_SHARED((_WPAD, _EMB), jnp.float32),
        pltpu.VMEM_SHARED((_WPAD, _EMB), jnp.float32),
        pltpu.SemaphoreType.DMA,
    ],
)(_sc_body)


def kernel(target_bucket_emb, target_importance, context_bucket_emb,
           context_importance, target, context):
    freqs = jnp.full((_NUM_WORDS,), 5.0, dtype=jnp.float32)
    dist = jnp.floor(jnp.power(freqs, 0.75) + 1.0)
    neg = jax.random.categorical(jax.random.key(1139), jnp.log(dist),
                                 shape=(_BATCH * _NUM_NEG,)).astype(jnp.int32)

    pad = ((0, _WPAD - _NUM_WORDS), (0, 0))
    t_imp = jnp.pad(target_importance, pad)
    c_imp = jnp.pad(context_importance, pad)
    tgt = target.reshape(-1).astype(jnp.int32)
    ctx = context.reshape(-1).astype(jnp.int32)

    out = _launch(target_bucket_emb, t_imp, context_bucket_emb, c_imp,
                  tgt, ctx, neg)
    return out.reshape(_BATCH, _NOUT)

# --- scband reference (transcript-rebuilt; emitter-appended) ---
"""Pipeline reference for scband-word2-vec-41695542510204 (READ-ONLY COPY).

The authoritative reference and input builder live on the scoring server;
editing this copy changes nothing except your own understanding.
"""

import jax, jax.numpy as jnp
import numpy as np

NUM_WORDS = 1000
NUM_BUCKETS = 100000
NUM_HASH = 2
EMB = 64
BATCH = 16384
NUM_NEG = 4
HASH_A = (92821, 48271)
HASH_B = (1013, 2029)


def _hash_words(x):
    # emulates tf.strings.to_hash_bucket_fast on pre-tokenized int ids
    return (x * 1000003 + 12345) % NUM_WORDS


def _hash_embedding(ids, bucket_emb, importance):
    # Svenstrup-style hash embedding: sum_k importance[w,k] * E[h_k(w)]
    out = jnp.zeros(ids.shape + (bucket_emb.shape[1],), dtype=bucket_emb.dtype)
    for k in range(NUM_HASH):
        buckets = (ids * HASH_A[k] + HASH_B[k]) % NUM_BUCKETS
        w = importance[ids, k][..., None]
        out = out + w * jnp.take(bucket_emb, buckets, axis=0)
    return out


def _negative_dist():
    freqs = jnp.full((NUM_WORDS,), 5.0, dtype=jnp.float32)
    dist = jnp.floor(jnp.power(freqs, 0.75) + 1.0)  # cast-to-int64 semantics of the TF code
    return dist


def setup_inputs(seed: int = 0) -> dict:
    key = jax.random.key(seed)
    ks = jax.random.split(key, 6)
    target = jax.random.randint(ks[0], (BATCH, 1), 0, NUM_WORDS, dtype=jnp.int32)
    context = jax.random.randint(ks[1], (BATCH, 1), 0, NUM_WORDS, dtype=jnp.int32)
    target_bucket_emb = jax.random.normal(ks[2], (NUM_BUCKETS, EMB), dtype=jnp.float32) * 0.02
    target_importance = jax.random.normal(ks[3], (NUM_WORDS, NUM_HASH), dtype=jnp.float32) * 0.5 + 1.0
    context_bucket_emb = jax.random.normal(ks[4], (NUM_BUCKETS, EMB), dtype=jnp.float32) * 0.02
    context_importance = jax.random.normal(ks[5], (NUM_WORDS, NUM_HASH), dtype=jnp.float32) * 0.5 + 1.0
    return {
        'target_bucket_emb': target_bucket_emb,
        'target_importance': target_importance,
        'context_bucket_emb': context_bucket_emb,
        'context_importance': context_importance,
        'target': target,
        'context': context,
    }


def reference(target_bucket_emb, target_importance, context_bucket_emb, context_importance, target, context):
    # target path
    t = _hash_words(target)                                    # [B,1]
    we = _hash_embedding(t, target_bucket_emb, target_importance)  # [B,1,E]
    # context path: true context + fixed-unigram negative sampling (unique=False -> categorical)
    c = _hash_words(context)                                   # [B,1]
    dist = _negative_dist()
    skey = jax.random.key(1139)
    neg = jax.random.categorical(skey, jnp.log(dist), shape=(BATCH * NUM_NEG,))
    neg = neg.reshape(BATCH, NUM_NEG).astype(c.dtype)
    ctx_ids = jnp.concatenate([c, neg], axis=1)                # [B,1+NEG]
    ce = _hash_embedding(ctx_ids, context_bucket_emb, context_importance)  # [B,1+NEG,E]
    # keras Dot(axes=(2,2)) on [B,5,E] x [B,1,E] -> [B,5,1]; Flatten -> [B,5]
    dots = jnp.einsum('bnd,bmd->bnm', ce, we)
    return dots.reshape(dots.shape[0], -1)


if False:  # reference __main__ guard neutralized (emitter)
    out = reference(**setup_inputs())
    print(out.shape)

if __name__ == "__main__":
    import jax
    _d = setup_inputs()
    print(jax.jit(kernel)(*tuple(_d.values())))

</pallas_src>

<mosaic_0001>
#map = affine_map<(d0, d1) -> (0, 0)>
#map1 = affine_map<(d0, d1) -> (0)>
module attributes {stable_mosaic.version = 14 : i64} {
  func.func @_sc_body(%arg0: i32, %arg1: i32, %arg2: memref<100000x64xf32, #tpu.memory_space<hbm>>, %arg3: memref<1024x2xf32, #tpu.memory_space<hbm>>, %arg4: memref<100000x64xf32, #tpu.memory_space<hbm>>, %arg5: memref<1024x2xf32, #tpu.memory_space<hbm>>, %arg6: memref<16384xi32, #tpu.memory_space<hbm>>, %arg7: memref<16384xi32, #tpu.memory_space<hbm>>, %arg8: memref<65536xi32, #tpu.memory_space<hbm>>, %arg9: memref<81920xf32, #tpu.memory_space<hbm>>, %arg10: memref<1024x64xf32, #tpu.memory_space<vmem>>, %arg11: memref<32768xf32, #tpu.memory_space<vmem>>, %arg12: memref<128x64xf32, #tpu.memory_space<vmem>>, %arg13: memref<64x64xf32, #tpu.memory_space<vmem>>, %arg14: memref<512xi32, #tpu.memory_space<vmem>>, %arg15: memref<2048xi32, #tpu.memory_space<vmem>>, %arg16: memref<2560xf32, #tpu.memory_space<vmem>>, %arg17: memref<128xi32, #tpu.memory_space<vmem>>, %arg18: memref<64x2xf32, #tpu.memory_space<vmem>>, %arg19: memref<1024x64xf32, #tpu.memory_space<vmem_shared>>, %arg20: memref<1024x64xf32, #tpu.memory_space<vmem_shared>>, %arg21: memref<!tpu.dma_semaphore, #tpu.memory_space<semaphore_mem>>) attributes {dimension_semantics = [#tpu.dimension_semantics<core_parallel>, #tpu.dimension_semantics<subcore_parallel>], iteration_bounds = array<i64: 2, 16>, scalar_prefetch = 0 : i64, scratch_operands = 12 : i64, tpu.core_type = #tpu.core_type<sc_vector_subcore>, window_params = [{transform_indices = #map}, {transform_indices = #map}, {transform_indices = #map}, {transform_indices = #map}, {transform_indices = #map1}, {transform_indices = #map1}, {transform_indices = #map1}, {transform_indices = #map1}]} {
    %mul3A = arith.constant 16 : i32
    %mul3A_0 = arith.muli %arg0, %mul3A : i32
    %add3A = arith.addi %mul3A_0, %arg1 : i32
    %mul3A_1 = arith.constant 512 : i32
    %mul3A_2 = arith.muli %add3A, %mul3A_1 : i32
    %mul3A_3 = arith.constant 64 : i32
    %mul3A_4 = arith.muli %arg1, %mul3A_3 : i32
    %iota3A = tpu.iota {dimensions = array<i32: 0>} : vector<16xi32>
    %add3A_5 = arith.constant 0 : i32
    %add3A_6 = vector.broadcast %add3A_5 : i32 to vector<16xi32>
    %add3A_7 = arith.addi %add3A_6, %iota3A : vector<16xi32>
    %shift_right_arithmetic3A = arith.constant 1 : i32
    %shift_right_arithmetic3A_8 = vector.broadcast %shift_right_arithmetic3A : i32 to vector<16xi32>
    %shift_right_arithmetic3A_9 = arith.shrsi %add3A_7, %shift_right_arithmetic3A_8 : vector<16xi32>
    %add3A_10 = vector.broadcast %mul3A_4 : i32 to vector<16xi32>
    %add3A_11 = arith.addi %add3A_10, %shift_right_arithmetic3A_9 : vector<16xi32>
    %jit3A = arith.constant 2 : i32
    %eq3A = arith.constant 0 : i32
    %eq3A_12 = arith.cmpi eq, %jit3A, %eq3A : i32
    %jit3A_13 = arith.constant 1 : i32
    %select_n3A = arith.select %eq3A_12, %jit3A_13, %jit3A : i32
    %rem3A = vector.broadcast %select_n3A : i32 to vector<16xi32>
    %rem3A_14 = arith.remsi %add3A_7, %rem3A : vector<16xi32>
    %ne3A = arith.constant 0 : i32
    %ne3A_15 = vector.broadcast %ne3A : i32 to vector<16xi32>
    %ne3A_16 = arith.cmpi ne, %rem3A_14, %ne3A_15 : vector<16xi32>
    %lt3A = arith.constant 0 : i32
    %lt3A_17 = vector.broadcast %lt3A : i32 to vector<16xi32>
    %lt3A_18 = arith.cmpi slt, %rem3A_14, %lt3A_17 : vector<16xi32>
    %lt3A_19 = arith.constant 0 : i32
    %lt3A_20 = arith.cmpi slt, %select_n3A, %lt3A_19 : i32
    %ne3A_21 = vector.broadcast %lt3A_20 : i1 to vector<16xi1>
    %ne3A_22 = vector.broadcast %ne3A_21 : vector<16xi1> to vector<16xi1>
    %ne3A_23 = arith.xori %lt3A_18, %ne3A_22 : vector<16xi1>
    %and3A = arith.andi %ne3A_23, %ne3A_16 : vector<16xi1>
    %add3A_24 = vector.broadcast %select_n3A : i32 to vector<16xi32>
    %add3A_25 = arith.addi %rem3A_14, %add3A_24 : vector<16xi32>
    %select_n3A_26 = arith.select %and3A, %add3A_25, %rem3A_14 : vector<16xi1>, vector<16xi32>
    %eq3A_27 = arith.constant 0 : i32
    %eq3A_28 = vector.broadcast %eq3A_27 : i32 to vector<16xi32>
    %eq3A_29 = arith.cmpi eq, %select_n3A_26, %eq3A_28 : vector<16xi32>
    %broadcast_in_dim3A = arith.constant 92821 : i32
    %broadcast_in_dim3A_30 = vector.broadcast %broadcast_in_dim3A : i32 to vector<16xi32>
    %broadcast_in_dim3A_31 = arith.constant 48271 : i32
    %broadcast_in_dim3A_32 = vector.broadcast %broadcast_in_dim3A_31 : i32 to vector<16xi32>
    %select_n3A_33 = arith.select %eq3A_29, %broadcast_in_dim3A_30, %broadcast_in_dim3A_32 : vector<16xi1>, vector<16xi32>
    %broadcast_in_dim3A_34 = arith.constant 1013 : i32
    %broadcast_in_dim3A_35 = vector.broadcast %broadcast_in_dim3A_34 : i32 to vector<16xi32>
    %broadcast_in_dim3A_36 = arith.constant 2029 : i32
    %broadcast_in_dim3A_37 = vector.broadcast %broadcast_in_dim3A_36 : i32 to vector<16xi32>
    %select_n3A_38 = arith.select %eq3A_29, %broadcast_in_dim3A_35, %broadcast_in_dim3A_37 : vector<16xi1>, vector<16xi32>
    %mul3A_39 = arith.muli %add3A_11, %select_n3A_33 : vector<16xi32>
    %add3A_40 = arith.addi %mul3A_39, %select_n3A_38 : vector<16xi32>
    %jit3A_41 = arith.constant 100000 : i32
    %eq3A_42 = arith.constant 0 : i32
    %eq3A_43 = arith.cmpi eq, %jit3A_41, %eq3A_42 : i32
    %jit3A_44 = arith.constant 1 : i32
    %select_n3A_45 = arith.select %eq3A_43, %jit3A_44, %jit3A_41 : i32
    %rem3A_46 = vector.broadcast %select_n3A_45 : i32 to vector<16xi32>
    %rem3A_47 = arith.remsi %add3A_40, %rem3A_46 : vector<16xi32>
    %ne3A_48 = arith.constant 0 : i32
    %ne3A_49 = vector.broadcast %ne3A_48 : i32 to vector<16xi32>
    %ne3A_50 = arith.cmpi ne, %rem3A_47, %ne3A_49 : vector<16xi32>
    %lt3A_51 = arith.constant 0 : i32
    %lt3A_52 = vector.broadcast %lt3A_51 : i32 to vector<16xi32>
    %lt3A_53 = arith.cmpi slt, %rem3A_47, %lt3A_52 : vector<16xi32>
    %lt3A_54 = arith.constant 0 : i32
    %lt3A_55 = arith.cmpi slt, %select_n3A_45, %lt3A_54 : i32
    %ne3A_56 = vector.broadcast %lt3A_55 : i1 to vector<16xi1>
    %ne3A_57 = vector.broadcast %ne3A_56 : vector<16xi1> to vector<16xi1>
    %ne3A_58 = arith.xori %lt3A_53, %ne3A_57 : vector<16xi1>
    %and3A_59 = arith.andi %ne3A_58, %ne3A_50 : vector<16xi1>
    %add3A_60 = vector.broadcast %select_n3A_45 : i32 to vector<16xi32>
    %add3A_61 = arith.addi %rem3A_47, %add3A_60 : vector<16xi32>
    %select_n3A_62 = arith.select %and3A_59, %add3A_61, %rem3A_47 : vector<16xi1>, vector<16xi32>
    %swap3A = arith.constant 0 : index
    %swap3A_63 = tpu.vector_load %arg17[%swap3A] {strides = array<i32>} : memref<128xi32, #tpu.memory_space<vmem>>, vector<16xi32>,
    tpu.vector_store %arg17[%swap3A], %select_n3A_62 {strides = array<i32>} : memref<128xi32, #tpu.memory_space<vmem>>, vector<16xi32>,
    %add3A_64 = arith.constant 16 : i32
    %add3A_65 = vector.broadcast %add3A_64 : i32 to vector<16xi32>
    %add3A_66 = arith.addi %add3A_65, %iota3A : vector<16xi32>
    %shift_right_arithmetic3A_67 = arith.constant 1 : i32
    %shift_right_arithmetic3A_68 = vector.broadcast %shift_right_arithmetic3A_67 : i32 to vector<16xi32>
    %shift_right_arithmetic3A_69 = arith.shrsi %add3A_66, %shift_right_arithmetic3A_68 : vector<16xi32>
    %add3A_70 = vector.broadcast %mul3A_4 : i32 to vector<16xi32>
    %add3A_71 = arith.addi %add3A_70, %shift_right_arithmetic3A_69 : vector<16xi32>
    %jit3A_72 = arith.constant 2 : i32
    %eq3A_73 = arith.constant 0 : i32
    %eq3A_74 = arith.cmpi eq, %jit3A_72, %eq3A_73 : i32
    %jit3A_75 = arith.constant 1 : i32
    %select_n3A_76 = arith.select %eq3A_74, %jit3A_75, %jit3A_72 : i32
    %rem3A_77 = vector.broadcast %select_n3A_76 : i32 to vector<16xi32>
    %rem3A_78 = arith.remsi %add3A_66, %rem3A_77 : vector<16xi32>
    %ne3A_79 = arith.constant 0 : i32
    %ne3A_80 = vector.broadcast %ne3A_79 : i32 to vector<16xi32>
    %ne3A_81 = arith.cmpi ne, %rem3A_78, %ne3A_80 : vector<16xi32>
    %lt3A_82 = arith.constant 0 : i32
    %lt3A_83 = vector.broadcast %lt3A_82 : i32 to vector<16xi32>
    %lt3A_84 = arith.cmpi slt, %rem3A_78, %lt3A_83 : vector<16xi32>
    %lt3A_85 = arith.constant 0 : i32
    %lt3A_86 = arith.cmpi slt, %select_n3A_76, %lt3A_85 : i32
    %ne3A_87 = vector.broadcast %lt3A_86 : i1 to vector<16xi1>
    %ne3A_88 = vector.broadcast %ne3A_87 : vector<16xi1> to vector<16xi1>
    %ne3A_89 = arith.xori %lt3A_84, %ne3A_88 : vector<16xi1>
    %and3A_90 = arith.andi %ne3A_89, %ne3A_81 : vector<16xi1>
    %add3A_91 = vector.broadcast %select_n3A_76 : i32 to vector<16xi32>
    %add3A_92 = arith.addi %rem3A_78, %add3A_91 : vector<16xi32>
    %select_n3A_93 = arith.select %and3A_90, %add3A_92, %rem3A_78 : vector<16xi1>, vector<16xi32>
    %eq3A_94 = arith.constant 0 : i32
    %eq3A_95 = vector.broadcast %eq3A_94 : i32 to vector<16xi32>
    %eq3A_96 = arith.cmpi eq, %select_n3A_93, %eq3A_95 : vector<16xi32>
    %broadcast_in_dim3A_97 = arith.constant 92821 : i32
    %broadcast_in_dim3A_98 = vector.broadcast %broadcast_in_dim3A_97 : i32 to vector<16xi32>
    %broadcast_in_dim3A_99 = arith.constant 48271 : i32
    %broadcast_in_dim3A_100 = vector.broadcast %broadcast_in_dim3A_99 : i32 to vector<16xi32>
    %select_n3A_101 = arith.select %eq3A_96, %broadcast_in_dim3A_98, %broadcast_in_dim3A_100 : vector<16xi1>, vector<16xi32>
    %broadcast_in_dim3A_102 = arith.constant 1013 : i32
    %broadcast_in_dim3A_103 = vector.broadcast %broadcast_in_dim3A_102 : i32 to vector<16xi32>
    %broadcast_in_dim3A_104 = arith.constant 2029 : i32
    %broadcast_in_dim3A_105 = vector.broadcast %broadcast_in_dim3A_104 : i32 to vector<16xi32>
    %select_n3A_106 = arith.select %eq3A_96, %broadcast_in_dim3A_103, %broadcast_in_dim3A_105 : vector<16xi1>, vector<16xi32>
    %mul3A_107 = arith.muli %add3A_71, %select_n3A_101 : vector<16xi32>
    %add3A_108 = arith.addi %mul3A_107, %select_n3A_106 : vector<16xi32>
    %jit3A_109 = arith.constant 100000 : i32
    %eq3A_110 = arith.constant 0 : i32
    %eq3A_111 = arith.cmpi eq, %jit3A_109, %eq3A_110 : i32
    %jit3A_112 = arith.constant 1 : i32
    %select_n3A_113 = arith.select %eq3A_111, %jit3A_112, %jit3A_109 : i32
    %rem3A_114 = vector.broadcast %select_n3A_113 : i32 to vector<16xi32>
    %rem3A_115 = arith.remsi %add3A_108, %rem3A_114 : vector<16xi32>
    %ne3A_116 = arith.constant 0 : i32
    %ne3A_117 = vector.broadcast %ne3A_116 : i32 to vector<16xi32>
    %ne3A_118 = arith.cmpi ne, %rem3A_115, %ne3A_117 : vector<16xi32>
    %lt3A_119 = arith.constant 0 : i32
    %lt3A_120 = vector.broadcast %lt3A_119 : i32 to vector<16xi32>
    %lt3A_121 = arith.cmpi slt, %rem3A_115, %lt3A_120 : vector<16xi32>
    %lt3A_122 = arith.constant 0 : i32
    %lt3A_123 = arith.cmpi slt, %select_n3A_113, %lt3A_122 : i32
    %ne3A_124 = vector.broadcast %lt3A_123 : i1 to vector<16xi1>
    %ne3A_125 = vector.broadcast %ne3A_124 : vector<16xi1> to vector<16xi1>
    %ne3A_126 = arith.xori %lt3A_121, %ne3A_125 : vector<16xi1>
    %and3A_127 = arith.andi %ne3A_126, %ne3A_118 : vector<16xi1>
    %add3A_128 = vector.broadcast %select_n3A_113 : i32 to vector<16xi32>
    %add3A_129 = arith.addi %rem3A_115, %add3A_128 : vector<16xi32>
    %select_n3A_130 = arith.select %and3A_127, %add3A_129, %rem3A_115 : vector<16xi1>, vector<16xi32>
    %swap3A_131 = arith.constant 16 : index
    %swap3A_132 = tpu.vector_load %arg17[%swap3A_131] {strides = array<i32>} : memref<128xi32, #tpu.memory_space<vmem>>, vector<16xi32>,
    tpu.vector_store %arg17[%swap3A_131], %select_n3A_130 {strides = array<i32>} : memref<128xi32, #tpu.memory_space<vmem>>, vector<16xi32>,
    %add3A_133 = arith.constant 32 : i32
    %add3A_134 = vector.broadcast %add3A_133 : i32 to vector<16xi32>
    %add3A_135 = arith.addi %add3A_134, %iota3A : vector<16xi32>
    %shift_right_arithmetic3A_136 = arith.constant 1 : i32
    %shift_right_arithmetic3A_137 = vector.broadcast %shift_right_arithmetic3A_136 : i32 to vector<16xi32>
    %shift_right_arithmetic3A_138 = arith.shrsi %add3A_135, %shift_right_arithmetic3A_137 : vector<16xi32>
    %add3A_139 = vector.broadcast %mul3A_4 : i32 to vector<16xi32>
    %add3A_140 = arith.addi %add3A_139, %shift_right_arithmetic3A_138 : vector<16xi32>
    %jit3A_141 = arith.constant 2 : i32
    %eq3A_142 = arith.constant 0 : i32
    %eq3A_143 = arith.cmpi eq, %jit3A_141, %eq3A_142 : i32
    %jit3A_144 = arith.constant 1 : i32
    %select_n3A_145 = arith.select %eq3A_143, %jit3A_144, %jit3A_141 : i32
    %rem3A_146 = vector.broadcast %select_n3A_145 : i32 to vector<16xi32>
    %rem3A_147 = arith.remsi %add3A_135, %rem3A_146 : vector<16xi32>
    %ne3A_148 = arith.constant 0 : i32
    %ne3A_149 = vector.broadcast %ne3A_148 : i32 to vector<16xi32>
    %ne3A_150 = arith.cmpi ne, %rem3A_147, %ne3A_149 : vector<16xi32>
    %lt3A_151 = arith.constant 0 : i32
    %lt3A_152 = vector.broadcast %lt3A_151 : i32 to vector<16xi32>
    %lt3A_153 = arith.cmpi slt, %rem3A_147, %lt3A_152 : vector<16xi32>
    %lt3A_154 = arith.constant 0 : i32
    %lt3A_155 = arith.cmpi slt, %select_n3A_145, %lt3A_154 : i32
    %ne3A_156 = vector.broadcast %lt3A_155 : i1 to vector<16xi1>
    %ne3A_157 = vector.broadcast %ne3A_156 : vector<16xi1> to vector<16xi1>
    %ne3A_158 = arith.xori %lt3A_153, %ne3A_157 : vector<16xi1>
    %and3A_159 = arith.andi %ne3A_158, %ne3A_150 : vector<16xi1>
    %add3A_160 = vector.broadcast %select_n3A_145 : i32 to vector<16xi32>
    %add3A_161 = arith.addi %rem3A_147, %add3A_160 : vector<16xi32>
    %select_n3A_162 = arith.select %and3A_159, %add3A_161, %rem3A_147 : vector<16xi1>, vector<16xi32>
    %eq3A_163 = arith.constant 0 : i32
    %eq3A_164 = vector.broadcast %eq3A_163 : i32 to vector<16xi32>
    %eq3A_165 = arith.cmpi eq, %select_n3A_162, %eq3A_164 : vector<16xi32>
    %broadcast_in_dim3A_166 = arith.constant 92821 : i32
    %broadcast_in_dim3A_167 = vector.broadcast %broadcast_in_dim3A_166 : i32 to vector<16xi32>
    %broadcast_in_dim3A_168 = arith.constant 48271 : i32
    %broadcast_in_dim3A_169 = vector.broadcast %broadcast_in_dim3A_168 : i32 to vector<16xi32>
    %select_n3A_170 = arith.select %eq3A_165, %broadcast_in_dim3A_167, %broadcast_in_dim3A_169 : vector<16xi1>, vector<16xi32>
    %broadcast_in_dim3A_171 = arith.constant 1013 : i32
    %broadcast_in_dim3A_172 = vector.broadcast %broadcast_in_dim3A_171 : i32 to vector<16xi32>
    %broadcast_in_dim3A_173 = arith.constant 2029 : i32
    %broadcast_in_dim3A_174 = vector.broadcast %broadcast_in_dim3A_173 : i32 to vector<16xi32>
    %select_n3A_175 = arith.select %eq3A_165, %broadcast_in_dim3A_172, %broadcast_in_dim3A_174 : vector<16xi1>, vector<16xi32>
    %mul3A_176 = arith.muli %add3A_140, %select_n3A_170 : vector<16xi32>
    %add3A_177 = arith.addi %mul3A_176, %select_n3A_175 : vector<16xi32>
    %jit3A_178 = arith.constant 100000 : i32
    %eq3A_179 = arith.constant 0 : i32
    %eq3A_180 = arith.cmpi eq, %jit3A_178, %eq3A_179 : i32
    %jit3A_181 = arith.constant 1 : i32
    %select_n3A_182 = arith.select %eq3A_180, %jit3A_181, %jit3A_178 : i32
    %rem3A_183 = vector.broadcast %select_n3A_182 : i32 to vector<16xi32>
    %rem3A_184 = arith.remsi %add3A_177, %rem3A_183 : vector<16xi32>
    %ne3A_185 = arith.constant 0 : i32
    %ne3A_186 = vector.broadcast %ne3A_185 : i32 to vector<16xi32>
    %ne3A_187 = arith.cmpi ne, %rem3A_184, %ne3A_186 : vector<16xi32>
    %lt3A_188 = arith.constant 0 : i32
    %lt3A_189 = vector.broadcast %lt3A_188 : i32 to vector<16xi32>
    %lt3A_190 = arith.cmpi slt, %rem3A_184, %lt3A_189 : vector<16xi32>
    %lt3A_191 = arith.constant 0 : i32
    %lt3A_192 = arith.cmpi slt, %select_n3A_182, %lt3A_191 : i32
    %ne3A_193 = vector.broadcast %lt3A_192 : i1 to vector<16xi1>
    %ne3A_194 = vector.broadcast %ne3A_193 : vector<16xi1> to vector<16xi1>
    %ne3A_195 = arith.xori %lt3A_190, %ne3A_194 : vector<16xi1>
    %and3A_196 = arith.andi %ne3A_195, %ne3A_187 : vector<16xi1>
    %add3A_197 = vector.broadcast %select_n3A_182 : i32 to vector<16xi32>
    %add3A_198 = arith.addi %rem3A_184, %add3A_197 : vector<16xi32>
    %select_n3A_199 = arith.select %and3A_196, %add3A_198, %rem3A_184 : vector<16xi1>, vector<16xi32>
    %swap3A_200 = arith.constant 32 : index
    %swap3A_201 = tpu.vector_load %arg17[%swap3A_200] {strides = array<i32>} : memref<128xi32, #tpu.memory_space<vmem>>, vector<16xi32>,
    tpu.vector_store %arg17[%swap3A_200], %select_n3A_199 {strides = array<i32>} : memref<128xi32, #tpu.memory_space<vmem>>, vector<16xi32>,
    %add3A_202 = arith.constant 48 : i32
    %add3A_203 = vector.broadcast %add3A_202 : i32 to vector<16xi32>
    %add3A_204 = arith.addi %add3A_203, %iota3A : vector<16xi32>
    %shift_right_arithmetic3A_205 = arith.constant 1 : i32
    %shift_right_arithmetic3A_206 = vector.broadcast %shift_right_arithmetic3A_205 : i32 to vector<16xi32>
    %shift_right_arithmetic3A_207 = arith.shrsi %add3A_204, %shift_right_arithmetic3A_206 : vector<16xi32>
    %add3A_208 = vector.broadcast %mul3A_4 : i32 to vector<16xi32>
    %add3A_209 = arith.addi %add3A_208, %shift_right_arithmetic3A_207 : vector<16xi32>
    %jit3A_210 = arith.constant 2 : i32
    %eq3A_211 = arith.constant 0 : i32
    %eq3A_212 = arith.cmpi eq, %jit3A_210, %eq3A_211 : i32
    %jit3A_213 = arith.constant 1 : i32
    %select_n3A_214 = arith.select %eq3A_212, %jit3A_213, %jit3A_210 : i32
    %rem3A_215 = vector.broadcast %select_n3A_214 : i32 to vector<16xi32>
    %rem3A_216 = arith.remsi %add3A_204, %rem3A_215 : vector<16xi32>
    %ne3A_217 = arith.constant 0 : i32
    %ne3A_218 = vector.broadcast %ne3A_217 : i32 to vector<16xi32>
    %ne3A_219 = arith.cmpi ne, %rem3A_216, %ne3A_218 : vector<16xi32>
    %lt3A_220 = arith.constant 0 : i32
    %lt3A_221 = vector.broadcast %lt3A_220 : i32 to vector<16xi32>
    %lt3A_222 = arith.cmpi slt, %rem3A_216, %lt3A_221 : vector<16xi32>
    %lt3A_223 = arith.constant 0 : i32
    %lt3A_224 = arith.cmpi slt, %select_n3A_214, %lt3A_223 : i32
    %ne3A_225 = vector.broadcast %lt3A_224 : i1 to vector<16xi1>
    %ne3A_226 = vector.broadcast %ne3A_225 : vector<16xi1> to vector<16xi1>
    %ne3A_227 = arith.xori %lt3A_222, %ne3A_226 : vector<16xi1>
    %and3A_228 = arith.andi %ne3A_227, %ne3A_219 : vector<16xi1>
    %add3A_229 = vector.broadcast %select_n3A_214 : i32 to vector<16xi32>
    %add3A_230 = arith.addi %rem3A_216, %add3A_229 : vector<16xi32>
    %select_n3A_231 = arith.select %and3A_228, %add3A_230, %rem3A_216 : vector<16xi1>, vector<16xi32>
    %eq3A_232 = arith.constant 0 : i32
    %eq3A_233 = vector.broadcast %eq3A_232 : i32 to vector<16xi32>
    %eq3A_234 = arith.cmpi eq, %select_n3A_231, %eq3A_233 : vector<16xi32>
    %broadcast_in_dim3A_235 = arith.constant 92821 : i32
    %broadcast_in_dim3A_236 = vector.broadcast %broadcast_in_dim3A_235 : i32 to vector<16xi32>
    %broadcast_in_dim3A_237 = arith.constant 48271 : i32
    %broadcast_in_dim3A_238 = vector.broadcast %broadcast_in_dim3A_237 : i32 to vector<16xi32>
    %select_n3A_239 = arith.select %eq3A_234, %broadcast_in_dim3A_236, %broadcast_in_dim3A_238 : vector<16xi1>, vector<16xi32>
    %broadcast_in_dim3A_240 = arith.constant 1013 : i32
    %broadcast_in_dim3A_241 = vector.broadcast %broadcast_in_dim3A_240 : i32 to vector<16xi32>
    %broadcast_in_dim3A_242 = arith.constant 2029 : i32
    %broadcast_in_dim3A_243 = vector.broadcast %broadcast_in_dim3A_242 : i32 to vector<16xi32>
    %select_n3A_244 = arith.select %eq3A_234, %broadcast_in_dim3A_241, %broadcast_in_dim3A_243 : vector<16xi1>, vector<16xi32>
    %mul3A_245 = arith.muli %add3A_209, %select_n3A_239 : vector<16xi32>
    %add3A_246 = arith.addi %mul3A_245, %select_n3A_244 : vector<16xi32>
    %jit3A_247 = arith.constant 100000 : i32
    %eq3A_248 = arith.constant 0 : i32
    %eq3A_249 = arith.cmpi eq, %jit3A_247, %eq3A_248 : i32
    %jit3A_250 = arith.constant 1 : i32
    %select_n3A_251 = arith.select %eq3A_249, %jit3A_250, %jit3A_247 : i32
    %rem3A_252 = vector.broadcast %select_n3A_251 : i32 to vector<16xi32>
    %rem3A_253 = arith.remsi %add3A_246, %rem3A_252 : vector<16xi32>
    %ne3A_254 = arith.constant 0 : i32
    %ne3A_255 = vector.broadcast %ne3A_254 : i32 to vector<16xi32>
    %ne3A_256 = arith.cmpi ne, %rem3A_253, %ne3A_255 : vector<16xi32>
    %lt3A_257 = arith.constant 0 : i32
    %lt3A_258 = vector.broadcast %lt3A_257 : i32 to vector<16xi32>
    %lt3A_259 = arith.cmpi slt, %rem3A_253, %lt3A_258 : vector<16xi32>
    %lt3A_260 = arith.constant 0 : i32
    %lt3A_261 = arith.cmpi slt, %select_n3A_251, %lt3A_260 : i32
    %ne3A_262 = vector.broadcast %lt3A_261 : i1 to vector<16xi1>
    %ne3A_263 = vector.broadcast %ne3A_262 : vector<16xi1> to vector<16xi1>
    %ne3A_264 = arith.xori %lt3A_259, %ne3A_263 : vector<16xi1>
    %and3A_265 = arith.andi %ne3A_264, %ne3A_256 : vector<16xi1>
    %add3A_266 = vector.broadcast %select_n3A_251 : i32 to vector<16xi32>
    %add3A_267 = arith.addi %rem3A_253, %add3A_266 : vector<16xi32>
    %select_n3A_268 = arith.select %and3A_265, %add3A_267, %rem3A_253 : vector<16xi1>, vector<16xi32>
    %swap3A_269 = arith.constant 48 : index
    %swap3A_270 = tpu.vector_load %arg17[%swap3A_269] {strides = array<i32>} : memref<128xi32, #tpu.memory_space<vmem>>, vector<16xi32>,
    tpu.vector_store %arg17[%swap3A_269], %select_n3A_268 {strides = array<i32>} : memref<128xi32, #tpu.memory_space<vmem>>, vector<16xi32>,
    %add3A_271 = arith.constant 64 : i32
    %add3A_272 = vector.broadcast %add3A_271 : i32 to vector<16xi32>
    %add3A_273 = arith.addi %add3A_272, %iota3A : vector<16xi32>
    %shift_right_arithmetic3A_274 = arith.constant 1 : i32
    %shift_right_arithmetic3A_275 = vector.broadcast %shift_right_arithmetic3A_274 : i32 to vector<16xi32>
    %shift_right_arithmetic3A_276 = arith.shrsi %add3A_273, %shift_right_arithmetic3A_275 : vector<16xi32>
    %add3A_277 = vector.broadcast %mul3A_4 : i32 to vector<16xi32>
    %add3A_278 = arith.addi %add3A_277, %shift_right_arithmetic3A_276 : vector<16xi32>
    %jit3A_279 = arith.constant 2 : i32
    %eq3A_280 = arith.constant 0 : i32
    %eq3A_281 = arith.cmpi eq, %jit3A_279, %eq3A_280 : i32
    %jit3A_282 = arith.constant 1 : i32
    %select_n3A_283 = arith.select %eq3A_281, %jit3A_282, %jit3A_279 : i32
    %rem3A_284 = vector.broadcast %select_n3A_283 : i32 to vector<16xi32>
    %rem3A_285 = arith.remsi %add3A_273, %rem3A_284 : vector<16xi32>
    %ne3A_286 = arith.constant 0 : i32
    %ne3A_287 = vector.broadcast %ne3A_286 : i32 to vector<16xi32>
    %ne3A_288 = arith.cmpi ne, %rem3A_285, %ne3A_287 : vector<16xi32>
    %lt3A_289 = arith.constant 0 : i32
    %lt3A_290 = vector.broadcast %lt3A_289 : i32 to vector<16xi32>
    %lt3A_291 = arith.cmpi slt, %rem3A_285, %lt3A_290 : vector<16xi32>
    %lt3A_292 = arith.constant 0 : i32
    %lt3A_293 = arith.cmpi slt, %select_n3A_283, %lt3A_292 : i32
    %ne3A_294 = vector.broadcast %lt3A_293 : i1 to vector<16xi1>
    %ne3A_295 = vector.broadcast %ne3A_294 : vector<16xi1> to vector<16xi1>
    %ne3A_296 = arith.xori %lt3A_291, %ne3A_295 : vector<16xi1>
    %and3A_297 = arith.andi %ne3A_296, %ne3A_288 : vector<16xi1>
    %add3A_298 = vector.broadcast %select_n3A_283 : i32 to vector<16xi32>
    %add3A_299 = arith.addi %rem3A_285, %add3A_298 : vector<16xi32>
    %select_n3A_300 = arith.select %and3A_297, %add3A_299, %rem3A_285 : vector<16xi1>, vector<16xi32>
    %eq3A_301 = arith.constant 0 : i32
    %eq3A_302 = vector.broadcast %eq3A_301 : i32 to vector<16xi32>
    %eq3A_303 = arith.cmpi eq, %select_n3A_300, %eq3A_302 : vector<16xi32>
    %broadcast_in_dim3A_304 = arith.constant 92821 : i32
    %broadcast_in_dim3A_305 = vector.broadcast %broadcast_in_dim3A_304 : i32 to vector<16xi32>
    %broadcast_in_dim3A_306 = arith.constant 48271 : i32
    %broadcast_in_dim3A_307 = vector.broadcast %broadcast_in_dim3A_306 : i32 to vector<16xi32>
    %select_n3A_308 = arith.select %eq3A_303, %broadcast_in_dim3A_305, %broadcast_in_dim3A_307 : vector<16xi1>, vector<16xi32>
    %broadcast_in_dim3A_309 = arith.constant 1013 : i32
    %broadcast_in_dim3A_310 = vector.broadcast %broadcast_in_dim3A_309 : i32 to vector<16xi32>
    %broadcast_in_dim3A_311 = arith.constant 2029 : i32
    %broadcast_in_dim3A_312 = vector.broadcast %broadcast_in_dim3A_311 : i32 to vector<16xi32>
    %select_n3A_313 = arith.select %eq3A_303, %broadcast_in_dim3A_310, %broadcast_in_dim3A_312 : vector<16xi1>, vector<16xi32>
    %mul3A_314 = arith.muli %add3A_278, %select_n3A_308 : vector<16xi32>
    %add3A_315 = arith.addi %mul3A_314, %select_n3A_313 : vector<16xi32>
    %jit3A_316 = arith.constant 100000 : i32
    %eq3A_317 = arith.constant 0 : i32
    %eq3A_318 = arith.cmpi eq, %jit3A_316, %eq3A_317 : i32
    %jit3A_319 = arith.constant 1 : i32
    %select_n3A_320 = arith.select %eq3A_318, %jit3A_319, %jit3A_316 : i32
    %rem3A_321 = vector.broadcast %select_n3A_320 : i32 to vector<16xi32>
    %rem3A_322 = arith.remsi %add3A_315, %rem3A_321 : vector<16xi32>
    %ne3A_323 = arith.constant 0 : i32
    %ne3A_324 = vector.broadcast %ne3A_323 : i32 to vector<16xi32>
    %ne3A_325 = arith.cmpi ne, %rem3A_322, %ne3A_324 : vector<16xi32>
    %lt3A_326 = arith.constant 0 : i32
    %lt3A_327 = vector.broadcast %lt3A_326 : i32 to vector<16xi32>
    %lt3A_328 = arith.cmpi slt, %rem3A_322, %lt3A_327 : vector<16xi32>
    %lt3A_329 = arith.constant 0 : i32
    %lt3A_330 = arith.cmpi slt, %select_n3A_320, %lt3A_329 : i32
    %ne3A_331 = vector.broadcast %lt3A_330 : i1 to vector<16xi1>
    %ne3A_332 = vector.broadcast %ne3A_331 : vector<16xi1> to vector<16xi1>
    %ne3A_333 = arith.xori %lt3A_328, %ne3A_332 : vector<16xi1>
    %and3A_334 = arith.andi %ne3A_333, %ne3A_325 : vector<16xi1>
    %add3A_335 = vector.broadcast %select_n3A_320 : i32 to vector<16xi32>
    %add3A_336 = arith.addi %rem3A_322, %add3A_335 : vector<16xi32>
    %select_n3A_337 = arith.select %and3A_334, %add3A_336, %rem3A_322 : vector<16xi1>, vector<16xi32>
    %swap3A_338 = arith.constant 64 : index
    %swap3A_339 = tpu.vector_load %arg17[%swap3A_338] {strides = array<i32>} : memref<128xi32, #tpu.memory_space<vmem>>, vector<16xi32>,
    tpu.vector_store %arg17[%swap3A_338], %select_n3A_337 {strides = array<i32>} : memref<128xi32, #tpu.memory_space<vmem>>, vector<16xi32>,
    %add3A_340 = arith.constant 80 : i32
    %add3A_341 = vector.broadcast %add3A_340 : i32 to vector<16xi32>
    %add3A_342 = arith.addi %add3A_341, %iota3A : vector<16xi32>
    %shift_right_arithmetic3A_343 = arith.constant 1 : i32
    %shift_right_arithmetic3A_344 = vector.broadcast %shift_right_arithmetic3A_343 : i32 to vector<16xi32>
    %shift_right_arithmetic3A_345 = arith.shrsi %add3A_342, %shift_right_arithmetic3A_344 : vector<16xi32>
    %add3A_346 = vector.broadcast %mul3A_4 : i32 to vector<16xi32>
    %add3A_347 = arith.addi %add3A_346, %shift_right_arithmetic3A_345 : vector<16xi32>
    %jit3A_348 = arith.constant 2 : i32
    %eq3A_349 = arith.constant 0 : i32
    %eq3A_350 = arith.cmpi eq, %jit3A_348, %eq3A_349 : i32
    %jit3A_351 = arith.constant 1 : i32
    %select_n3A_352 = arith.select %eq3A_350, %jit3A_351, %jit3A_348 : i32
    %rem3A_353 = vector.broadcast %select_n3A_352 : i32 to vector<16xi32>
    %rem3A_354 = arith.remsi %add3A_342, %rem3A_353 : vector<16xi32>
    %ne3A_355 = arith.constant 0 : i32
    %ne3A_356 = vector.broadcast %ne3A_355 : i32 to vector<16xi32>
    %ne3A_357 = arith.cmpi ne, %rem3A_354, %ne3A_356 : vector<16xi32>
    %lt3A_358 = arith.constant 0 : i32
    %lt3A_359 = vector.broadcast %lt3A_358 : i32 to vector<16xi32>
    %lt3A_360 = arith.cmpi slt, %rem3A_354, %lt3A_359 : vector<16xi32>
    %lt3A_361 = arith.constant 0 : i32
    %lt3A_362 = arith.cmpi slt, %select_n3A_352, %lt3A_361 : i32
    %ne3A_363 = vector.broadcast %lt3A_362 : i1 to vector<16xi1>
    %ne3A_364 = vector.broadcast %ne3A_363 : vector<16xi1> to vector<16xi1>
    %ne3A_365 = arith.xori %lt3A_360, %ne3A_364 : vector<16xi1>
    %and3A_366 = arith.andi %ne3A_365, %ne3A_357 : vector<16xi1>
    %add3A_367 = vector.broadcast %select_n3A_352 : i32 to vector<16xi32>
    %add3A_368 = arith.addi %rem3A_354, %add3A_367 : vector<16xi32>
    %select_n3A_369 = arith.select %and3A_366, %add3A_368, %rem3A_354 : vector<16xi1>, vector<16xi32>
    %eq3A_370 = arith.constant 0 : i32
    %eq3A_371 = vector.broadcast %eq3A_370 : i32 to vector<16xi32>
    %eq3A_372 = arith.cmpi eq, %select_n3A_369, %eq3A_371 : vector<16xi32>
    %broadcast_in_dim3A_373 = arith.constant 92821 : i32
    %broadcast_in_dim3A_374 = vector.broadcast %broadcast_in_dim3A_373 : i32 to vector<16xi32>
    %broadcast_in_dim3A_375 = arith.constant 48271 : i32
    %broadcast_in_dim3A_376 = vector.broadcast %broadcast_in_dim3A_375 : i32 to vector<16xi32>
    %select_n3A_377 = arith.select %eq3A_372, %broadcast_in_dim3A_374, %broadcast_in_dim3A_376 : vector<16xi1>, vector<16xi32>
    %broadcast_in_dim3A_378 = arith.constant 1013 : i32
    %broadcast_in_dim3A_379 = vector.broadcast %broadcast_in_dim3A_378 : i32 to vector<16xi32>
    %broadcast_in_dim3A_380 = arith.constant 2029 : i32
    %broadcast_in_dim3A_381 = vector.broadcast %broadcast_in_dim3A_380 : i32 to vector<16xi32>
    %select_n3A_382 = arith.select %eq3A_372, %broadcast_in_dim3A_379, %broadcast_in_dim3A_381 : vector<16xi1>, vector<16xi32>
    %mul3A_383 = arith.muli %add3A_347, %select_n3A_377 : vector<16xi32>
    %add3A_384 = arith.addi %mul3A_383, %select_n3A_382 : vector<16xi32>
    %jit3A_385 = arith.constant 100000 : i32
    %eq3A_386 = arith.constant 0 : i32
    %eq3A_387 = arith.cmpi eq, %jit3A_385, %eq3A_386 : i32
    %jit3A_388 = arith.constant 1 : i32
    %select_n3A_389 = arith.select %eq3A_387, %jit3A_388, %jit3A_385 : i32
    %rem3A_390 = vector.broadcast %select_n3A_389 : i32 to vector<16xi32>
    %rem3A_391 = arith.remsi %add3A_384, %rem3A_390 : vector<16xi32>
    %ne3A_392 = arith.constant 0 : i32
    %ne3A_393 = vector.broadcast %ne3A_392 : i32 to vector<16xi32>
    %ne3A_394 = arith.cmpi ne, %rem3A_391, %ne3A_393 : vector<16xi32>
    %lt3A_395 = arith.constant 0 : i32
    %lt3A_396 = vector.broadcast %lt3A_395 : i32 to vector<16xi32>
    %lt3A_397 = arith.cmpi slt, %rem3A_391, %lt3A_396 : vector<16xi32>
    %lt3A_398 = arith.constant 0 : i32
    %lt3A_399 = arith.cmpi slt, %select_n3A_389, %lt3A_398 : i32
    %ne3A_400 = vector.broadcast %lt3A_399 : i1 to vector<16xi1>
    %ne3A_401 = vector.broadcast %ne3A_400 : vector<16xi1> to vector<16xi1>
    %ne3A_402 = arith.xori %lt3A_397, %ne3A_401 : vector<16xi1>
    %and3A_403 = arith.andi %ne3A_402, %ne3A_394 : vector<16xi1>
    %add3A_404 = vector.broadcast %select_n3A_389 : i32 to vector<16xi32>
    %add3A_405 = arith.addi %rem3A_391, %add3A_404 : vector<16xi32>
    %select_n3A_406 = arith.select %and3A_403, %add3A_405, %rem3A_391 : vector<16xi1>, vector<16xi32>
    %swap3A_407 = arith.constant 80 : index
    %swap3A_408 = tpu.vector_load %arg17[%swap3A_407] {strides = array<i32>} : memref<128xi32, #tpu.memory_space<vmem>>, vector<16xi32>,
    tpu.vector_store %arg17[%swap3A_407], %select_n3A_406 {strides = array<i32>} : memref<128xi32, #tpu.memory_space<vmem>>, vector<16xi32>,
    %add3A_409 = arith.constant 96 : i32
    %add3A_410 = vector.broadcast %add3A_409 : i32 to vector<16xi32>
    %add3A_411 = arith.addi %add3A_410, %iota3A : vector<16xi32>
    %shift_right_arithmetic3A_412 = arith.constant 1 : i32
    %shift_right_arithmetic3A_413 = vector.broadcast %shift_right_arithmetic3A_412 : i32 to vector<16xi32>
    %shift_right_arithmetic3A_414 = arith.shrsi %add3A_411, %shift_right_arithmetic3A_413 : vector<16xi32>
    %add3A_415 = vector.broadcast %mul3A_4 : i32 to vector<16xi32>
    %add3A_416 = arith.addi %add3A_415, %shift_right_arithmetic3A_414 : vector<16xi32>
    %jit3A_417 = arith.constant 2 : i32
    %eq3A_418 = arith.constant 0 : i32
    %eq3A_419 = arith.cmpi eq, %jit3A_417, %eq3A_418 : i32
    %jit3A_420 = arith.constant 1 : i32
    %select_n3A_421 = arith.select %eq3A_419, %jit3A_420, %jit3A_417 : i32
    %rem3A_422 = vector.broadcast %select_n3A_421 : i32 to vector<16xi32>
    %rem3A_423 = arith.remsi %add3A_411, %rem3A_422 : vector<16xi32>
    %ne3A_424 = arith.constant 0 : i32
    %ne3A_425 = vector.broadcast %ne3A_424 : i32 to vector<16xi32>
    %ne3A_426 = arith.cmpi ne, %rem3A_423, %ne3A_425 : vector<16xi32>
    %lt3A_427 = arith.constant 0 : i32
    %lt3A_428 = vector.broadcast %lt3A_427 : i32 to vector<16xi32>
    %lt3A_429 = arith.cmpi slt, %rem3A_423, %lt3A_428 : vector<16xi32>
    %lt3A_430 = arith.constant 0 : i32
    %lt3A_431 = arith.cmpi slt, %select_n3A_421, %lt3A_430 : i32
    %ne3A_432 = vector.broadcast %lt3A_431 : i1 to vector<16xi1>
    %ne3A_433 = vector.broadcast %ne3A_432 : vector<16xi1> to vector<16xi1>
    %ne3A_434 = arith.xori %lt3A_429, %ne3A_433 : vector<16xi1>
    %and3A_435 = arith.andi %ne3A_434, %ne3A_426 : vector<16xi1>
    %add3A_436 = vector.broadcast %select_n3A_421 : i32 to vector<16xi32>
    %add3A_437 = arith.addi %rem3A_423, %add3A_436 : vector<16xi32>
    %select_n3A_438 = arith.select %and3A_435, %add3A_437, %rem3A_423 : vector<16xi1>, vector<16xi32>
    %eq3A_439 = arith.constant 0 : i32
    %eq3A_440 = vector.broadcast %eq3A_439 : i32 to vector<16xi32>
    %eq3A_441 = arith.cmpi eq, %select_n3A_438, %eq3A_440 : vector<16xi32>
    %broadcast_in_dim3A_442 = arith.constant 92821 : i32
    %broadcast_in_dim3A_443 = vector.broadcast %broadcast_in_dim3A_442 : i32 to vector<16xi32>
    %broadcast_in_dim3A_444 = arith.constant 48271 : i32
    %broadcast_in_dim3A_445 = vector.broadcast %broadcast_in_dim3A_444 : i32 to vector<16xi32>
    %select_n3A_446 = arith.select %eq3A_441, %broadcast_in_dim3A_443, %broadcast_in_dim3A_445 : vector<16xi1>, vector<16xi32>
    %broadcast_in_dim3A_447 = arith.constant 1013 : i32
    %broadcast_in_dim3A_448 = vector.broadcast %broadcast_in_dim3A_447 : i32 to vector<16xi32>
    %broadcast_in_dim3A_449 = arith.constant 2029 : i32
    %broadcast_in_dim3A_450 = vector.broadcast %broadcast_in_dim3A_449 : i32 to vector<16xi32>
    %select_n3A_451 = arith.select %eq3A_441, %broadcast_in_dim3A_448, %broadcast_in_dim3A_450 : vector<16xi1>, vector<16xi32>
    %mul3A_452 = arith.muli %add3A_416, %select_n3A_446 : vector<16xi32>
    %add3A_453 = arith.addi %mul3A_452, %select_n3A_451 : vector<16xi32>
    %jit3A_454 = arith.constant 100000 : i32
    %eq3A_455 = arith.constant 0 : i32
    %eq3A_456 = arith.cmpi eq, %jit3A_454, %eq3A_455 : i32
    %jit3A_457 = arith.constant 1 : i32
    %select_n3A_458 = arith.select %eq3A_456, %jit3A_457, %jit3A_454 : i32
    %rem3A_459 = vector.broadcast %select_n3A_458 : i32 to vector<16xi32>
    %rem3A_460 = arith.remsi %add3A_453, %rem3A_459 : vector<16xi32>
    %ne3A_461 = arith.constant 0 : i32
    %ne3A_462 = vector.broadcast %ne3A_461 : i32 to vector<16xi32>
    %ne3A_463 = arith.cmpi ne, %rem3A_460, %ne3A_462 : vector<16xi32>
    %lt3A_464 = arith.constant 0 : i32
    %lt3A_465 = vector.broadcast %lt3A_464 : i32 to vector<16xi32>
    %lt3A_466 = arith.cmpi slt, %rem3A_460, %lt3A_465 : vector<16xi32>
    %lt3A_467 = arith.constant 0 : i32
    %lt3A_468 = arith.cmpi slt, %select_n3A_458, %lt3A_467 : i32
    %ne3A_469 = vector.broadcast %lt3A_468 : i1 to vector<16xi1>
    %ne3A_470 = vector.broadcast %ne3A_469 : vector<16xi1> to vector<16xi1>
    %ne3A_471 = arith.xori %lt3A_466, %ne3A_470 : vector<16xi1>
    %and3A_472 = arith.andi %ne3A_471, %ne3A_463 : vector<16xi1>
    %add3A_473 = vector.broadcast %select_n3A_458 : i32 to vector<16xi32>
    %add3A_474 = arith.addi %rem3A_460, %add3A_473 : vector<16xi32>
    %select_n3A_475 = arith.select %and3A_472, %add3A_474, %rem3A_460 : vector<16xi1>, vector<16xi32>
    %swap3A_476 = arith.constant 96 : index
    %swap3A_477 = tpu.vector_load %arg17[%swap3A_476] {strides = array<i32>} : memref<128xi32, #tpu.memory_space<vmem>>, vector<16xi32>,
    tpu.vector_store %arg17[%swap3A_476], %select_n3A_475 {strides = array<i32>} : memref<128xi32, #tpu.memory_space<vmem>>, vector<16xi32>,
    %add3A_478 = arith.constant 112 : i32
    %add3A_479 = vector.broadcast %add3A_478 : i32 to vector<16xi32>
    %add3A_480 = arith.addi %add3A_479, %iota3A : vector<16xi32>
    %shift_right_arithmetic3A_481 = arith.constant 1 : i32
    %shift_right_arithmetic3A_482 = vector.broadcast %shift_right_arithmetic3A_481 : i32 to vector<16xi32>
    %shift_right_arithmetic3A_483 = arith.shrsi %add3A_480, %shift_right_arithmetic3A_482 : vector<16xi32>
    %add3A_484 = vector.broadcast %mul3A_4 : i32 to vector<16xi32>
    %add3A_485 = arith.addi %add3A_484, %shift_right_arithmetic3A_483 : vector<16xi32>
    %jit3A_486 = arith.constant 2 : i32
    %eq3A_487 = arith.constant 0 : i32
    %eq3A_488 = arith.cmpi eq, %jit3A_486, %eq3A_487 : i32
    %jit3A_489 = arith.constant 1 : i32
    %select_n3A_490 = arith.select %eq3A_488, %jit3A_489, %jit3A_486 : i32
    %rem3A_491 = vector.broadcast %select_n3A_490 : i32 to vector<16xi32>
    %rem3A_492 = arith.remsi %add3A_480, %rem3A_491 : vector<16xi32>
    %ne3A_493 = arith.constant 0 : i32
    %ne3A_494 = vector.broadcast %ne3A_493 : i32 to vector<16xi32>
    %ne3A_495 = arith.cmpi ne, %rem3A_492, %ne3A_494 : vector<16xi32>
    %lt3A_496 = arith.constant 0 : i32
    %lt3A_497 = vector.broadcast %lt3A_496 : i32 to vector<16xi32>
    %lt3A_498 = arith.cmpi slt, %rem3A_492, %lt3A_497 : vector<16xi32>
    %lt3A_499 = arith.constant 0 : i32
    %lt3A_500 = arith.cmpi slt, %select_n3A_490, %lt3A_499 : i32
    %ne3A_501 = vector.broadcast %lt3A_500 : i1 to vector<16xi1>
    %ne3A_502 = vector.broadcast %ne3A_501 : vector<16xi1> to vector<16xi1>
    %ne3A_503 = arith.xori %lt3A_498, %ne3A_502 : vector<16xi1>
    %and3A_504 = arith.andi %ne3A_503, %ne3A_495 : vector<16xi1>
    %add3A_505 = vector.broadcast %select_n3A_490 : i32 to vector<16xi32>
    %add3A_506 = arith.addi %rem3A_492, %add3A_505 : vector<16xi32>
    %select_n3A_507 = arith.select %and3A_504, %add3A_506, %rem3A_492 : vector<16xi1>, vector<16xi32>
    %eq3A_508 = arith.constant 0 : i32
    %eq3A_509 = vector.broadcast %eq3A_508 : i32 to vector<16xi32>
    %eq3A_510 = arith.cmpi eq, %select_n3A_507, %eq3A_509 : vector<16xi32>
    %broadcast_in_dim3A_511 = arith.constant 92821 : i32
    %broadcast_in_dim3A_512 = vector.broadcast %broadcast_in_dim3A_511 : i32 to vector<16xi32>
    %broadcast_in_dim3A_513 = arith.constant 48271 : i32
    %broadcast_in_dim3A_514 = vector.broadcast %broadcast_in_dim3A_513 : i32 to vector<16xi32>
    %select_n3A_515 = arith.select %eq3A_510, %broadcast_in_dim3A_512, %broadcast_in_dim3A_514 : vector<16xi1>, vector<16xi32>
    %broadcast_in_dim3A_516 = arith.constant 1013 : i32
    %broadcast_in_dim3A_517 = vector.broadcast %broadcast_in_dim3A_516 : i32 to vector<16xi32>
    %broadcast_in_dim3A_518 = arith.constant 2029 : i32
    %broadcast_in_dim3A_519 = vector.broadcast %broadcast_in_dim3A_518 : i32 to vector<16xi32>
    %select_n3A_520 = arith.select %eq3A_510, %broadcast_in_dim3A_517, %broadcast_in_dim3A_519 : vector<16xi1>, vector<16xi32>
    %mul3A_521 = arith.muli %add3A_485, %select_n3A_515 : vector<16xi32>
    %add3A_522 = arith.addi %mul3A_521, %select_n3A_520 : vector<16xi32>
    %jit3A_523 = arith.constant 100000 : i32
    %eq3A_524 = arith.constant 0 : i32
    %eq3A_525 = arith.cmpi eq, %jit3A_523, %eq3A_524 : i32
    %jit3A_526 = arith.constant 1 : i32
    %select_n3A_527 = arith.select %eq3A_525, %jit3A_526, %jit3A_523 : i32
    %rem3A_528 = vector.broadcast %select_n3A_527 : i32 to vector<16xi32>
    %rem3A_529 = arith.remsi %add3A_522, %rem3A_528 : vector<16xi32>
    %ne3A_530 = arith.constant 0 : i32
    %ne3A_531 = vector.broadcast %ne3A_530 : i32 to vector<16xi32>
    %ne3A_532 = arith.cmpi ne, %rem3A_529, %ne3A_531 : vector<16xi32>
    %lt3A_533 = arith.constant 0 : i32
    %lt3A_534 = vector.broadcast %lt3A_533 : i32 to vector<16xi32>
    %lt3A_535 = arith.cmpi slt, %rem3A_529, %lt3A_534 : vector<16xi32>
    %lt3A_536 = arith.constant 0 : i32
    %lt3A_537 = arith.cmpi slt, %select_n3A_527, %lt3A_536 : i32
    %ne3A_538 = vector.broadcast %lt3A_537 : i1 to vector<16xi1>
    %ne3A_539 = vector.broadcast %ne3A_538 : vector<16xi1> to vector<16xi1>
    %ne3A_540 = arith.xori %lt3A_535, %ne3A_539 : vector<16xi1>
    %and3A_541 = arith.andi %ne3A_540, %ne3A_532 : vector<16xi1>
    %add3A_542 = vector.broadcast %select_n3A_527 : i32 to vector<16xi32>
    %add3A_543 = arith.addi %rem3A_529, %add3A_542 : vector<16xi32>
    %select_n3A_544 = arith.select %and3A_541, %add3A_543, %rem3A_529 : vector<16xi1>, vector<16xi32>
    %swap3A_545 = arith.constant 112 : index
    %swap3A_546 = tpu.vector_load %arg17[%swap3A_545] {strides = array<i32>} : memref<128xi32, #tpu.memory_space<vmem>>, vector<16xi32>,
    tpu.vector_store %arg17[%swap3A_545], %select_n3A_544 {strides = array<i32>} : memref<128xi32, #tpu.memory_space<vmem>>, vector<16xi32>,
    %dma_start3A = arith.constant 0 : i32
    %dma_start3A_547 = arith.constant 0 : i32
    %dma_start3A_548 = tpu.memref_slice %arg2[%dma_start3A, %dma_start3A_547] : memref<100000x64xf32, #tpu.memory_space<hbm>> -> memref<100000x64xf32, #tpu.memory_space<hbm>>
    tpu.enqueue_indirect_dma source(%dma_start3A_548 : memref<100000x64xf32, #tpu.memory_space<hbm>>) target(%arg12 : memref<128x64xf32, #tpu.memory_space<vmem>>) offsets(%arg17 : memref<128xi32, #tpu.memory_space<vmem>>) semaphore(%arg21 : memref<!tpu.dma_semaphore, #tpu.memory_space<semaphore_mem>>)
    %dma_wait3A = arith.constant 0 : i32
    %dma_wait3A_549 = arith.constant 0 : i32
    %dma_wait3A_550 = tpu.memref_slice %arg2[%dma_wait3A, %dma_wait3A_549] : memref<100000x64xf32, #tpu.memory_space<hbm>> -> memref<100000x64xf32, #tpu.memory_space<hbm>>
    tpu.wait_indirect_dma semaphore(%arg21 : memref<!tpu.dma_semaphore, #tpu.memory_space<semaphore_mem>>) src(%dma_wait3A_550 : memref<100000x64xf32, #tpu.memory_space<hbm>>) dst(%arg12 : memref<128x64xf32, #tpu.memory_space<vmem>>)
    "tpu.region"() ({
      %run_scoped3A = tpu.sem_alloc : memref<!tpu.dma_semaphore, #tpu.memory_space<semaphore_mem>>
      %dma_start3A_1142 = arith.constant 0 : i32
      %dma_start3A_1143 = tpu.memref_slice %arg3[%mul3A_4, %dma_start3A_1142] : memref<1024x2xf32, #tpu.memory_space<hbm>> -> memref<64x2xf32, #tpu.memory_space<hbm>>
      %dma_start3A_1144 = arith.constant 0 : i32
      %dma_start3A_1145 = tpu.memref_slice %arg3[%mul3A_4, %dma_start3A_1144] : memref<1024x2xf32, #tpu.memory_space<hbm>> -> memref<64x2xf32, #tpu.memory_space<hbm>>
      tpu.enqueue_dma source(%dma_start3A_1145 : memref<64x2xf32, #tpu.memory_space<hbm>>) target(%arg18 : memref<64x2xf32, #tpu.memory_space<vmem>>) target_semaphore(%run_scoped3A : memref<!tpu.dma_semaphore, #tpu.memory_space<semaphore_mem>>)
      %dma_wait3A_1146 = arith.constant 0 : i32
      %dma_wait3A_1147 = tpu.memref_slice %arg3[%mul3A_4, %dma_wait3A_1146] : memref<1024x2xf32, #tpu.memory_space<hbm>> -> memref<64x2xf32, #tpu.memory_space<hbm>>
      %dma_wait3A_1148 = arith.constant 0 : i32
      %dma_wait3A_1149 = tpu.memref_slice %arg3[%mul3A_4, %dma_wait3A_1148] : memref<1024x2xf32, #tpu.memory_space<hbm>> -> memref<64x2xf32, #tpu.memory_space<hbm>>
      tpu.wait_dma2 semaphore(%run_scoped3A : memref<!tpu.dma_semaphore, #tpu.memory_space<semaphore_mem>>) src(%dma_wait3A_1149 : memref<64x2xf32, #tpu.memory_space<hbm>>) dst(%arg18 : memref<64x2xf32, #tpu.memory_space<vmem>>)
      tpu.yield
    }) : () -> ()
    %scan3A = arith.constant 0 : i32
    %scan3A_551 = arith.constant 0 : i32
    %scan3A_552 = arith.constant 64 : i32
    %scan3A_553 = arith.addi %scan3A_551, %scan3A_552 : i32
    %scan3A_554 = arith.constant 1 : i32
    %scan3A_555 = scf.for %scan3A_1142 = %scan3A_551 to %scan3A_553 step %scan3A_554 iter_args(%scan3A_1143 = %scan3A) -> (i32)  : i32 {
      %broadcast_in_dim3A_1144 = vector.broadcast %scan3A_1142 : i32 to vector<16xi32>
      %broadcast_in_dim3A_1145 = arith.constant 0 : i32
      %broadcast_in_dim3A_1146 = vector.broadcast %broadcast_in_dim3A_1145 : i32 to vector<16xi32>
      %gather3A = tpu.vector_load_idx %arg18[%broadcast_in_dim3A_1144, %broadcast_in_dim3A_1146] : memref<64x2xf32, #tpu.memory_space<vmem>>[vector<16xi32>, vector<16xi32>], vector<16xf32>,
      %add3A_1147 = arith.constant 1 : i32
      %add3A_1148 = vector.broadcast %add3A_1147 : i32 to vector<16xi32>
      %add3A_1149 = arith.addi %broadcast_in_dim3A_1146, %add3A_1148 : vector<16xi32>
      %gather3A_1150 = tpu.vector_load_idx %arg18[%broadcast_in_dim3A_1144, %add3A_1149] : memref<64x2xf32, #tpu.memory_space<vmem>>[vector<16xi32>, vector<16xi32>], vector<16xf32>,
      %mul3A_1151 = arith.constant 2 : i32
      %mul3A_1152 = arith.muli %mul3A_1151, %scan3A_1142 : i32
      %get3A = arith.index_cast %mul3A_1152 : i32 to index
      %get3A_1153 = arith.constant 0 : index
      %get3A_1154 = tpu.vector_load %arg12[%get3A, %get3A_1153] {strides = array<i32>} : memref<128x64xf32, #tpu.memory_space<vmem>>, vector<16xf32>,
      %mul3A_1155 = arith.mulf %gather3A, %get3A_1154 : vector<16xf32>
      %mul3A_1156 = arith.constant 2 : i32
      %mul3A_1157 = arith.muli %mul3A_1156, %scan3A_1142 : i32
      %add3A_1158 = arith.constant 1 : i32
      %add3A_1159 = arith.addi %mul3A_1157, %add3A_1158 : i32
      %get3A_1160 = arith.index_cast %add3A_1159 : i32 to index
      %get3A_1161 = arith.constant 0 : index
      %get3A_1162 = tpu.vector_load %arg12[%get3A_1160, %get3A_1161] {strides = array<i32>} : memref<128x64xf32, #tpu.memory_space<vmem>>, vector<16xf32>,
      %mul3A_1163 = arith.mulf %gather3A_1150, %get3A_1162 : vector<16xf32>
      %add3A_1164 = arith.addf %mul3A_1155, %mul3A_1163 : vector<16xf32>
      %swap3A_1165 = arith.index_cast %scan3A_1142 : i32 to index
      %swap3A_1166 = arith.constant 0 : index
      %swap3A_1167 = tpu.vector_load %arg13[%swap3A_1165, %swap3A_1166] {strides = array<i32>} : memref<64x64xf32, #tpu.memory_space<vmem>>, vector<16xf32>,
      tpu.vector_store %arg13[%swap3A_1165, %swap3A_1166], %add3A_1164 {strides = array<i32>} : memref<64x64xf32, #tpu.memory_space<vmem>>, vector<16xf32>,
      %mul3A_1168 = arith.constant 2 : i32
      %mul3A_1169 = arith.muli %mul3A_1168, %scan3A_1142 : i32
      %get3A_1170 = arith.index_cast %mul3A_1169 : i32 to index
      %get3A_1171 = arith.constant 16 : index
      %get3A_1172 = tpu.vector_load %arg12[%get3A_1170, %get3A_1171] {strides = array<i32>} : memref<128x64xf32, #tpu.memory_space<vmem>>, vector<16xf32>,
      %mul3A_1173 = arith.mulf %gather3A, %get3A_1172 : vector<16xf32>
      %mul3A_1174 = arith.constant 2 : i32
      %mul3A_1175 = arith.muli %mul3A_1174, %scan3A_1142 : i32
      %add3A_1176 = arith.constant 1 : i32
      %add3A_1177 = arith.addi %mul3A_1175, %add3A_1176 : i32
      %get3A_1178 = arith.index_cast %add3A_1177 : i32 to index
      %get3A_1179 = arith.constant 16 : index
      %get3A_1180 = tpu.vector_load %arg12[%get3A_1178, %get3A_1179] {strides = array<i32>} : memref<128x64xf32, #tpu.memory_space<vmem>>, vector<16xf32>,
      %mul3A_1181 = arith.mulf %gather3A_1150, %get3A_1180 : vector<16xf32>
      %add3A_1182 = arith.addf %mul3A_1173, %mul3A_1181 : vector<16xf32>
      %swap3A_1183 = arith.index_cast %scan3A_1142 : i32 to index
      %swap3A_1184 = arith.constant 16 : index
      %swap3A_1185 = tpu.vector_load %arg13[%swap3A_1183, %swap3A_1184] {strides = array<i32>} : memref<64x64xf32, #tpu.memory_space<vmem>>, vector<16xf32>,
      tpu.vector_store %arg13[%swap3A_1183, %swap3A_1184], %add3A_1182 {strides = array<i32>} : memref<64x64xf32, #tpu.memory_space<vmem>>, vector<16xf32>,
      %mul3A_1186 = arith.constant 2 : i32
      %mul3A_1187 = arith.muli %mul3A_1186, %scan3A_1142 : i32
      %get3A_1188 = arith.index_cast %mul3A_1187 : i32 to index
      %get3A_1189 = arith.constant 32 : index
      %get3A_1190 = tpu.vector_load %arg12[%get3A_1188, %get3A_1189] {strides = array<i32>} : memref<128x64xf32, #tpu.memory_space<vmem>>, vector<16xf32>,
      %mul3A_1191 = arith.mulf %gather3A, %get3A_1190 : vector<16xf32>
      %mul3A_1192 = arith.constant 2 : i32
      %mul3A_1193 = arith.muli %mul3A_1192, %scan3A_1142 : i32
      %add3A_1194 = arith.constant 1 : i32
      %add3A_1195 = arith.addi %mul3A_1193, %add3A_1194 : i32
      %get3A_1196 = arith.index_cast %add3A_1195 : i32 to index
      %get3A_1197 = arith.constant 32 : index
      %get3A_1198 = tpu.vector_load %arg12[%get3A_1196, %get3A_1197] {strides = array<i32>} : memref<128x64xf32, #tpu.memory_space<vmem>>, vector<16xf32>,
      %mul3A_1199 = arith.mulf %gather3A_1150, %get3A_1198 : vector<16xf32>
      %add3A_1200 = arith.addf %mul3A_1191, %mul3A_1199 : vector<16xf32>
      %swap3A_1201 = arith.index_cast %scan3A_1142 : i32 to index
      %swap3A_1202 = arith.constant 32 : index
      %swap3A_1203 = tpu.vector_load %arg13[%swap3A_1201, %swap3A_1202] {strides = array<i32>} : memref<64x64xf32, #tpu.memory_space<vmem>>, vector<16xf32>,
      tpu.vector_store %arg13[%swap3A_1201, %swap3A_1202], %add3A_1200 {strides = array<i32>} : memref<64x64xf32, #tpu.memory_space<vmem>>, vector<16xf32>,
      %mul3A_1204 = arith.constant 2 : i32
      %mul3A_1205 = arith.muli %mul3A_1204, %scan3A_1142 : i32
      %get3A_1206 = arith.index_cast %mul3A_1205 : i32 to index
      %get3A_1207 = arith.constant 48 : index
      %get3A_1208 = tpu.vector_load %arg12[%get3A_1206, %get3A_1207] {strides = array<i32>} : memref<128x64xf32, #tpu.memory_space<vmem>>, vector<16xf32>,
      %mul3A_1209 = arith.mulf %gather3A, %get3A_1208 : vector<16xf32>
      %mul3A_1210 = arith.constant 2 : i32
      %mul3A_1211 = arith.muli %mul3A_1210, %scan3A_1142 : i32
      %add3A_1212 = arith.constant 1 : i32
      %add3A_1213 = arith.addi %mul3A_1211, %add3A_1212 : i32
      %get3A_1214 = arith.index_cast %add3A_1213 : i32 to index
      %get3A_1215 = arith.constant 48 : index
      %get3A_1216 = tpu.vector_load %arg12[%get3A_1214, %get3A_1215] {strides = array<i32>} : memref<128x64xf32, #tpu.memory_space<vmem>>, vector<16xf32>,
      %mul3A_1217 = arith.mulf %gather3A_1150, %get3A_1216 : vector<16xf32>
      %add3A_1218 = arith.addf %mul3A_1209, %mul3A_1217 : vector<16xf32>
      %swap3A_1219 = arith.index_cast %scan3A_1142 : i32 to index
      %swap3A_1220 = arith.constant 48 : index
      %swap3A_1221 = tpu.vector_load %arg13[%swap3A_1219, %swap3A_1220] {strides = array<i32>} : memref<64x64xf32, #tpu.memory_space<vmem>>, vector<16xf32>,
      tpu.vector_store %arg13[%swap3A_1219, %swap3A_1220], %add3A_1218 {strides = array<i32>} : memref<64x64xf32, #tpu.memory_space<vmem>>, vector<16xf32>,
      %scan3A_1222 = arith.constant 0 : i32
      scf.yield %scan3A_1222 : i32
    }
    %scan3A_556 = arith.constant 64 : i32
    "tpu.region"() ({
      %run_scoped3A = tpu.sem_alloc : memref<!tpu.dma_semaphore, #tpu.memory_space<semaphore_mem>>
      %dma_start3A_1142 = arith.constant 0 : i32
      %dma_start3A_1143 = tpu.memref_slice %arg19[%mul3A_4, %dma_start3A_1142] : memref<1024x64xf32, #tpu.memory_space<vmem_shared>> -> memref<64x64xf32, #tpu.memory_space<vmem_shared>>
      %dma_start3A_1144 = arith.constant 0 : i32
      %dma_start3A_1145 = tpu.memref_slice %arg19[%mul3A_4, %dma_start3A_1144] : memref<1024x64xf32, #tpu.memory_space<vmem_shared>> -> memref<64x64xf32, #tpu.memory_space<vmem_shared>>
      tpu.enqueue_dma source(%arg13 : memref<64x64xf32, #tpu.memory_space<vmem>>) target(%dma_start3A_1145 : memref<64x64xf32, #tpu.memory_space<vmem_shared>>) target_semaphore(%run_scoped3A : memref<!tpu.dma_semaphore, #tpu.memory_space<semaphore_mem>>)
      %dma_wait3A_1146 = arith.constant 0 : i32
      %dma_wait3A_1147 = tpu.memref_slice %arg19[%mul3A_4, %dma_wait3A_1146] : memref<1024x64xf32, #tpu.memory_space<vmem_shared>> -> memref<64x64xf32, #tpu.memory_space<vmem_shared>>
      %dma_wait3A_1148 = arith.constant 0 : i32
      %dma_wait3A_1149 = tpu.memref_slice %arg19[%mul3A_4, %dma_wait3A_1148] : memref<1024x64xf32, #tpu.memory_space<vmem_shared>> -> memref<64x64xf32, #tpu.memory_space<vmem_shared>>
      tpu.wait_dma2 semaphore(%run_scoped3A : memref<!tpu.dma_semaphore, #tpu.memory_space<semaphore_mem>>) src(%arg13 : memref<64x64xf32, #tpu.memory_space<vmem>>) dst(%dma_wait3A_1149 : memref<64x64xf32, #tpu.memory_space<vmem_shared>>)
      tpu.yield
    }) : () -> ()
    %add3A_557 = arith.constant 0 : i32
    %add3A_558 = vector.broadcast %add3A_557 : i32 to vector<16xi32>
    %add3A_559 = arith.addi %add3A_558, %iota3A : vector<16xi32>
    %shift_right_arithmetic3A_560 = arith.constant 1 : i32
    %shift_right_arithmetic3A_561 = vector.broadcast %shift_right_arithmetic3A_560 : i32 to vector<16xi32>
    %shift_right_arithmetic3A_562 = arith.shrsi %add3A_559, %shift_right_arithmetic3A_561 : vector<16xi32>
    %add3A_563 = vector.broadcast %mul3A_4 : i32 to vector<16xi32>
    %add3A_564 = arith.addi %add3A_563, %shift_right_arithmetic3A_562 : vector<16xi32>
    %jit3A_565 = arith.constant 2 : i32
    %eq3A_566 = arith.constant 0 : i32
    %eq3A_567 = arith.cmpi eq, %jit3A_565, %eq3A_566 : i32
    %jit3A_568 = arith.constant 1 : i32
    %select_n3A_569 = arith.select %eq3A_567, %jit3A_568, %jit3A_565 : i32
    %rem3A_570 = vector.broadcast %select_n3A_569 : i32 to vector<16xi32>
    %rem3A_571 = arith.remsi %add3A_559, %rem3A_570 : vector<16xi32>
    %ne3A_572 = arith.constant 0 : i32
    %ne3A_573 = vector.broadcast %ne3A_572 : i32 to vector<16xi32>
    %ne3A_574 = arith.cmpi ne, %rem3A_571, %ne3A_573 : vector<16xi32>
    %lt3A_575 = arith.constant 0 : i32
    %lt3A_576 = vector.broadcast %lt3A_575 : i32 to vector<16xi32>
    %lt3A_577 = arith.cmpi slt, %rem3A_571, %lt3A_576 : vector<16xi32>
    %lt3A_578 = arith.constant 0 : i32
    %lt3A_579 = arith.cmpi slt, %select_n3A_569, %lt3A_578 : i32
    %ne3A_580 = vector.broadcast %lt3A_579 : i1 to vector<16xi1>
    %ne3A_581 = vector.broadcast %ne3A_580 : vector<16xi1> to vector<16xi1>
    %ne3A_582 = arith.xori %lt3A_577, %ne3A_581 : vector<16xi1>
    %and3A_583 = arith.andi %ne3A_582, %ne3A_574 : vector<16xi1>
    %add3A_584 = vector.broadcast %select_n3A_569 : i32 to vector<16xi32>
    %add3A_585 = arith.addi %rem3A_571, %add3A_584 : vector<16xi32>
    %select_n3A_586 = arith.select %and3A_583, %add3A_585, %rem3A_571 : vector<16xi1>, vector<16xi32>
    %eq3A_587 = arith.constant 0 : i32
    %eq3A_588 = vector.broadcast %eq3A_587 : i32 to vector<16xi32>
    %eq3A_589 = arith.cmpi eq, %select_n3A_586, %eq3A_588 : vector<16xi32>
    %broadcast_in_dim3A_590 = arith.constant 92821 : i32
    %broadcast_in_dim3A_591 = vector.broadcast %broadcast_in_dim3A_590 : i32 to vector<16xi32>
    %broadcast_in_dim3A_592 = arith.constant 48271 : i32
    %broadcast_in_dim3A_593 = vector.broadcast %broadcast_in_dim3A_592 : i32 to vector<16xi32>
    %select_n3A_594 = arith.select %eq3A_589, %broadcast_in_dim3A_591, %broadcast_in_dim3A_593 : vector<16xi1>, vector<16xi32>
    %broadcast_in_dim3A_595 = arith.constant 1013 : i32
    %broadcast_in_dim3A_596 = vector.broadcast %broadcast_in_dim3A_595 : i32 to vector<16xi32>
    %broadcast_in_dim3A_597 = arith.constant 2029 : i32
    %broadcast_in_dim3A_598 = vector.broadcast %broadcast_in_dim3A_597 : i32 to vector<16xi32>
    %select_n3A_599 = arith.select %eq3A_589, %broadcast_in_dim3A_596, %broadcast_in_dim3A_598 : vector<16xi1>, vector<16xi32>
    %mul3A_600 = arith.muli %add3A_564, %select_n3A_594 : vector<16xi32>
    %add3A_601 = arith.addi %mul3A_600, %select_n3A_599 : vector<16xi32>
    %jit3A_602 = arith.constant 100000 : i32
    %eq3A_603 = arith.constant 0 : i32
    %eq3A_604 = arith.cmpi eq, %jit3A_602, %eq3A_603 : i32
    %jit3A_605 = arith.constant 1 : i32
    %select_n3A_606 = arith.select %eq3A_604, %jit3A_605, %jit3A_602 : i32
    %rem3A_607 = vector.broadcast %select_n3A_606 : i32 to vector<16xi32>
    %rem3A_608 = arith.remsi %add3A_601, %rem3A_607 : vector<16xi32>
    %ne3A_609 = arith.constant 0 : i32
    %ne3A_610 = vector.broadcast %ne3A_609 : i32 to vector<16xi32>
    %ne3A_611 = arith.cmpi ne, %rem3A_608, %ne3A_610 : vector<16xi32>
    %lt3A_612 = arith.constant 0 : i32
    %lt3A_613 = vector.broadcast %lt3A_612 : i32 to vector<16xi32>
    %lt3A_614 = arith.cmpi slt, %rem3A_608, %lt3A_613 : vector<16xi32>
    %lt3A_615 = arith.constant 0 : i32
    %lt3A_616 = arith.cmpi slt, %select_n3A_606, %lt3A_615 : i32
    %ne3A_617 = vector.broadcast %lt3A_616 : i1 to vector<16xi1>
    %ne3A_618 = vector.broadcast %ne3A_617 : vector<16xi1> to vector<16xi1>
    %ne3A_619 = arith.xori %lt3A_614, %ne3A_618 : vector<16xi1>
    %and3A_620 = arith.andi %ne3A_619, %ne3A_611 : vector<16xi1>
    %add3A_621 = vector.broadcast %select_n3A_606 : i32 to vector<16xi32>
    %add3A_622 = arith.addi %rem3A_608, %add3A_621 : vector<16xi32>
    %select_n3A_623 = arith.select %and3A_620, %add3A_622, %rem3A_608 : vector<16xi1>, vector<16xi32>
    %swap3A_624 = arith.constant 0 : index
    %swap3A_625 = tpu.vector_load %arg17[%swap3A_624] {strides = array<i32>} : memref<128xi32, #tpu.memory_space<vmem>>, vector<16xi32>,
    tpu.vector_store %arg17[%swap3A_624], %select_n3A_623 {strides = array<i32>} : memref<128xi32, #tpu.memory_space<vmem>>, vector<16xi32>,
    %add3A_626 = arith.constant 16 : i32
    %add3A_627 = vector.broadcast %add3A_626 : i32 to vector<16xi32>
    %add3A_628 = arith.addi %add3A_627, %iota3A : vector<16xi32>
    %shift_right_arithmetic3A_629 = arith.constant 1 : i32
    %shift_right_arithmetic3A_630 = vector.broadcast %shift_right_arithmetic3A_629 : i32 to vector<16xi32>
    %shift_right_arithmetic3A_631 = arith.shrsi %add3A_628, %shift_right_arithmetic3A_630 : vector<16xi32>
    %add3A_632 = vector.broadcast %mul3A_4 : i32 to vector<16xi32>
    %add3A_633 = arith.addi %add3A_632, %shift_right_arithmetic3A_631 : vector<16xi32>
    %jit3A_634 = arith.constant 2 : i32
    %eq3A_635 = arith.constant 0 : i32
    %eq3A_636 = arith.cmpi eq, %jit3A_634, %eq3A_635 : i32
    %jit3A_637 = arith.constant 1 : i32
    %select_n3A_638 = arith.select %eq3A_636, %jit3A_637, %jit3A_634 : i32
    %rem3A_639 = vector.broadcast %select_n3A_638 : i32 to vector<16xi32>
    %rem3A_640 = arith.remsi %add3A_628, %rem3A_639 : vector<16xi32>
    %ne3A_641 = arith.constant 0 : i32
    %ne3A_642 = vector.broadcast %ne3A_641 : i32 to vector<16xi32>
    %ne3A_643 = arith.cmpi ne, %rem3A_640, %ne3A_642 : vector<16xi32>
    %lt3A_644 = arith.constant 0 : i32
    %lt3A_645 = vector.broadcast %lt3A_644 : i32 to vector<16xi32>
    %lt3A_646 = arith.cmpi slt, %rem3A_640, %lt3A_645 : vector<16xi32>
    %lt3A_647 = arith.constant 0 : i32
    %lt3A_648 = arith.cmpi slt, %select_n3A_638, %lt3A_647 : i32
    %ne3A_649 = vector.broadcast %lt3A_648 : i1 to vector<16xi1>
    %ne3A_650 = vector.broadcast %ne3A_649 : vector<16xi1> to vector<16xi1>
    %ne3A_651 = arith.xori %lt3A_646, %ne3A_650 : vector<16xi1>
    %and3A_652 = arith.andi %ne3A_651, %ne3A_643 : vector<16xi1>
    %add3A_653 = vector.broadcast %select_n3A_638 : i32 to vector<16xi32>
    %add3A_654 = arith.addi %rem3A_640, %add3A_653 : vector<16xi32>
    %select_n3A_655 = arith.select %and3A_652, %add3A_654, %rem3A_640 : vector<16xi1>, vector<16xi32>
    %eq3A_656 = arith.constant 0 : i32
    %eq3A_657 = vector.broadcast %eq3A_656 : i32 to vector<16xi32>
    %eq3A_658 = arith.cmpi eq, %select_n3A_655, %eq3A_657 : vector<16xi32>
    %broadcast_in_dim3A_659 = arith.constant 92821 : i32
    %broadcast_in_dim3A_660 = vector.broadcast %broadcast_in_dim3A_659 : i32 to vector<16xi32>
    %broadcast_in_dim3A_661 = arith.constant 48271 : i32
    %broadcast_in_dim3A_662 = vector.broadcast %broadcast_in_dim3A_661 : i32 to vector<16xi32>
    %select_n3A_663 = arith.select %eq3A_658, %broadcast_in_dim3A_660, %broadcast_in_dim3A_662 : vector<16xi1>, vector<16xi32>
    %broadcast_in_dim3A_664 = arith.constant 1013 : i32
    %broadcast_in_dim3A_665 = vector.broadcast %broadcast_in_dim3A_664 : i32 to vector<16xi32>
    %broadcast_in_dim3A_666 = arith.constant 2029 : i32
    %broadcast_in_dim3A_667 = vector.broadcast %broadcast_in_dim3A_666 : i32 to vector<16xi32>
    %select_n3A_668 = arith.select %eq3A_658, %broadcast_in_dim3A_665, %broadcast_in_dim3A_667 : vector<16xi1>, vector<16xi32>
    %mul3A_669 = arith.muli %add3A_633, %select_n3A_663 : vector<16xi32>
    %add3A_670 = arith.addi %mul3A_669, %select_n3A_668 : vector<16xi32>
    %jit3A_671 = arith.constant 100000 : i32
    %eq3A_672 = arith.constant 0 : i32
    %eq3A_673 = arith.cmpi eq, %jit3A_671, %eq3A_672 : i32
    %jit3A_674 = arith.constant 1 : i32
    %select_n3A_675 = arith.select %eq3A_673, %jit3A_674, %jit3A_671 : i32
    %rem3A_676 = vector.broadcast %select_n3A_675 : i32 to vector<16xi32>
    %rem3A_677 = arith.remsi %add3A_670, %rem3A_676 : vector<16xi32>
    %ne3A_678 = arith.constant 0 : i32
    %ne3A_679 = vector.broadcast %ne3A_678 : i32 to vector<16xi32>
    %ne3A_680 = arith.cmpi ne, %rem3A_677, %ne3A_679 : vector<16xi32>
    %lt3A_681 = arith.constant 0 : i32
    %lt3A_682 = vector.broadcast %lt3A_681 : i32 to vector<16xi32>
    %lt3A_683 = arith.cmpi slt, %rem3A_677, %lt3A_682 : vector<16xi32>
    %lt3A_684 = arith.constant 0 : i32
    %lt3A_685 = arith.cmpi slt, %select_n3A_675, %lt3A_684 : i32
    %ne3A_686 = vector.broadcast %lt3A_685 : i1 to vector<16xi1>
    %ne3A_687 = vector.broadcast %ne3A_686 : vector<16xi1> to vector<16xi1>
    %ne3A_688 = arith.xori %lt3A_683, %ne3A_687 : vector<16xi1>
    %and3A_689 = arith.andi %ne3A_688, %ne3A_680 : vector<16xi1>
    %add3A_690 = vector.broadcast %select_n3A_675 : i32 to vector<16xi32>
    %add3A_691 = arith.addi %rem3A_677, %add3A_690 : vector<16xi32>
    %select_n3A_692 = arith.select %and3A_689, %add3A_691, %rem3A_677 : vector<16xi1>, vector<16xi32>
    %swap3A_693 = arith.constant 16 : index
    %swap3A_694 = tpu.vector_load %arg17[%swap3A_693] {strides = array<i32>} : memref<128xi32, #tpu.memory_space<vmem>>, vector<16xi32>,
    tpu.vector_store %arg17[%swap3A_693], %select_n3A_692 {strides = array<i32>} : memref<128xi32, #tpu.memory_space<vmem>>, vector<16xi32>,
    %add3A_695 = arith.constant 32 : i32
    %add3A_696 = vector.broadcast %add3A_695 : i32 to vector<16xi32>
    %add3A_697 = arith.addi %add3A_696, %iota3A : vector<16xi32>
    %shift_right_arithmetic3A_698 = arith.constant 1 : i32
    %shift_right_arithmetic3A_699 = vector.broadcast %shift_right_arithmetic3A_698 : i32 to vector<16xi32>
    %shift_right_arithmetic3A_700 = arith.shrsi %add3A_697, %shift_right_arithmetic3A_699 : vector<16xi32>
    %add3A_701 = vector.broadcast %mul3A_4 : i32 to vector<16xi32>
    %add3A_702 = arith.addi %add3A_701, %shift_right_arithmetic3A_700 : vector<16xi32>
    %jit3A_703 = arith.constant 2 : i32
    %eq3A_704 = arith.constant 0 : i32
    %eq3A_705 = arith.cmpi eq, %jit3A_703, %eq3A_704 : i32
    %jit3A_706 = arith.constant 1 : i32
    %select_n3A_707 = arith.select %eq3A_705, %jit3A_706, %jit3A_703 : i32
    %rem3A_708 = vector.broadcast %select_n3A_707 : i32 to vector<16xi32>
    %rem3A_709 = arith.remsi %add3A_697, %rem3A_708 : vector<16xi32>
    %ne3A_710 = arith.constant 0 : i32
    %ne3A_711 = vector.broadcast %ne3A_710 : i32 to vector<16xi32>
    %ne3A_712 = arith.cmpi ne, %rem3A_709, %ne3A_711 : vector<16xi32>
    %lt3A_713 = arith.constant 0 : i32
    %lt3A_714 = vector.broadcast %lt3A_713 : i32 to vector<16xi32>
    %lt3A_715 = arith.cmpi slt, %rem3A_709, %lt3A_714 : vector<16xi32>
    %lt3A_716 = arith.constant 0 : i32
    %lt3A_717 = arith.cmpi slt, %select_n3A_707, %lt3A_716 : i32
    %ne3A_718 = vector.broadcast %lt3A_717 : i1 to vector<16xi1>
    %ne3A_719 = vector.broadcast %ne3A_718 : vector<16xi1> to vector<16xi1>
    %ne3A_720 = arith.xori %lt3A_715, %ne3A_719 : vector<16xi1>
    %and3A_721 = arith.andi %ne3A_720, %ne3A_712 : vector<16xi1>
    %add3A_722 = vector.broadcast %select_n3A_707 : i32 to vector<16xi32>
    %add3A_723 = arith.addi %rem3A_709, %add3A_722 : vector<16xi32>
    %select_n3A_724 = arith.select %and3A_721, %add3A_723, %rem3A_709 : vector<16xi1>, vector<16xi32>
    %eq3A_725 = arith.constant 0 : i32
    %eq3A_726 = vector.broadcast %eq3A_725 : i32 to vector<16xi32>
    %eq3A_727 = arith.cmpi eq, %select_n3A_724, %eq3A_726 : vector<16xi32>
    %broadcast_in_dim3A_728 = arith.constant 92821 : i32
    %broadcast_in_dim3A_729 = vector.broadcast %broadcast_in_dim3A_728 : i32 to vector<16xi32>
    %broadcast_in_dim3A_730 = arith.constant 48271 : i32
    %broadcast_in_dim3A_731 = vector.broadcast %broadcast_in_dim3A_730 : i32 to vector<16xi32>
    %select_n3A_732 = arith.select %eq3A_727, %broadcast_in_dim3A_729, %broadcast_in_dim3A_731 : vector<16xi1>, vector<16xi32>
    %broadcast_in_dim3A_733 = arith.constant 1013 : i32
    %broadcast_in_dim3A_734 = vector.broadcast %broadcast_in_dim3A_733 : i32 to vector<16xi32>
    %broadcast_in_dim3A_735 = arith.constant 2029 : i32
    %broadcast_in_dim3A_736 = vector.broadcast %broadcast_in_dim3A_735 : i32 to vector<16xi32>
    %select_n3A_737 = arith.select %eq3A_727, %broadcast_in_dim3A_734, %broadcast_in_dim3A_736 : vector<16xi1>, vector<16xi32>
    %mul3A_738 = arith.muli %add3A_702, %select_n3A_732 : vector<16xi32>
    %add3A_739 = arith.addi %mul3A_738, %select_n3A_737 : vector<16xi32>
    %jit3A_740 = arith.constant 100000 : i32
    %eq3A_741 = arith.constant 0 : i32
    %eq3A_742 = arith.cmpi eq, %jit3A_740, %eq3A_741 : i32
    %jit3A_743 = arith.constant 1 : i32
    %select_n3A_744 = arith.select %eq3A_742, %jit3A_743, %jit3A_740 : i32
    %rem3A_745 = vector.broadcast %select_n3A_744 : i32 to vector<16xi32>
    %rem3A_746 = arith.remsi %add3A_739, %rem3A_745 : vector<16xi32>
    %ne3A_747 = arith.constant 0 : i32
    %ne3A_748 = vector.broadcast %ne3A_747 : i32 to vector<16xi32>
    %ne3A_749 = arith.cmpi ne, %rem3A_746, %ne3A_748 : vector<16xi32>
    %lt3A_750 = arith.constant 0 : i32
    %lt3A_751 = vector.broadcast %lt3A_750 : i32 to vector<16xi32>
    %lt3A_752 = arith.cmpi slt, %rem3A_746, %lt3A_751 : vector<16xi32>
    %lt3A_753 = arith.constant 0 : i32
    %lt3A_754 = arith.cmpi slt, %select_n3A_744, %lt3A_753 : i32
    %ne3A_755 = vector.broadcast %lt3A_754 : i1 to vector<16xi1>
    %ne3A_756 = vector.broadcast %ne3A_755 : vector<16xi1> to vector<16xi1>
    %ne3A_757 = arith.xori %lt3A_752, %ne3A_756 : vector<16xi1>
    %and3A_758 = arith.andi %ne3A_757, %ne3A_749 : vector<16xi1>
    %add3A_759 = vector.broadcast %select_n3A_744 : i32 to vector<16xi32>
    %add3A_760 = arith.addi %rem3A_746, %add3A_759 : vector<16xi32>
    %select_n3A_761 = arith.select %and3A_758, %add3A_760, %rem3A_746 : vector<16xi1>, vector<16xi32>
    %swap3A_762 = arith.constant 32 : index
    %swap3A_763 = tpu.vector_load %arg17[%swap3A_762] {strides = array<i32>} : memref<128xi32, #tpu.memory_space<vmem>>, vector<16xi32>,
    tpu.vector_store %arg17[%swap3A_762], %select_n3A_761 {strides = array<i32>} : memref<128xi32, #tpu.memory_space<vmem>>, vector<16xi32>,
    %add3A_764 = arith.constant 48 : i32
    %add3A_765 = vector.broadcast %add3A_764 : i32 to vector<16xi32>
    %add3A_766 = arith.addi %add3A_765, %iota3A : vector<16xi32>
    %shift_right_arithmetic3A_767 = arith.constant 1 : i32
    %shift_right_arithmetic3A_768 = vector.broadcast %shift_right_arithmetic3A_767 : i32 to vector<16xi32>
    %shift_right_arithmetic3A_769 = arith.shrsi %add3A_766, %shift_right_arithmetic3A_768 : vector<16xi32>
    %add3A_770 = vector.broadcast %mul3A_4 : i32 to vector<16xi32>
    %add3A_771 = arith.addi %add3A_770, %shift_right_arithmetic3A_769 : vector<16xi32>
    %jit3A_772 = arith.constant 2 : i32
    %eq3A_773 = arith.constant 0 : i32
    %eq3A_774 = arith.cmpi eq, %jit3A_772, %eq3A_773 : i32
    %jit3A_775 = arith.constant 1 : i32
    %select_n3A_776 = arith.select %eq3A_774, %jit3A_775, %jit3A_772 : i32
    %rem3A_777 = vector.broadcast %select_n3A_776 : i32 to vector<16xi32>
    %rem3A_778 = arith.remsi %add3A_766, %rem3A_777 : vector<16xi32>
    %ne3A_779 = arith.constant 0 : i32
    %ne3A_780 = vector.broadcast %ne3A_779 : i32 to vector<16xi32>
    %ne3A_781 = arith.cmpi ne, %rem3A_778, %ne3A_780 : vector<16xi32>
    %lt3A_782 = arith.constant 0 : i32
    %lt3A_783 = vector.broadcast %lt3A_782 : i32 to vector<16xi32>
    %lt3A_784 = arith.cmpi slt, %rem3A_778, %lt3A_783 : vector<16xi32>
    %lt3A_785 = arith.constant 0 : i32
    %lt3A_786 = arith.cmpi slt, %select_n3A_776, %lt3A_785 : i32
    %ne3A_787 = vector.broadcast %lt3A_786 : i1 to vector<16xi1>
    %ne3A_788 = vector.broadcast %ne3A_787 : vector<16xi1> to vector<16xi1>
    %ne3A_789 = arith.xori %lt3A_784, %ne3A_788 : vector<16xi1>
    %and3A_790 = arith.andi %ne3A_789, %ne3A_781 : vector<16xi1>
    %add3A_791 = vector.broadcast %select_n3A_776 : i32 to vector<16xi32>
    %add3A_792 = arith.addi %rem3A_778, %add3A_791 : vector<16xi32>
    %select_n3A_793 = arith.select %and3A_790, %add3A_792, %rem3A_778 : vector<16xi1>, vector<16xi32>
    %eq3A_794 = arith.constant 0 : i32
    %eq3A_795 = vector.broadcast %eq3A_794 : i32 to vector<16xi32>
    %eq3A_796 = arith.cmpi eq, %select_n3A_793, %eq3A_795 : vector<16xi32>
    %broadcast_in_dim3A_797 = arith.constant 92821 : i32
    %broadcast_in_dim3A_798 = vector.broadcast %broadcast_in_dim3A_797 : i32 to vector<16xi32>
    %broadcast_in_dim3A_799 = arith.constant 48271 : i32
    %broadcast_in_dim3A_800 = vector.broadcast %broadcast_in_dim3A_799 : i32 to vector<16xi32>
    %select_n3A_801 = arith.select %eq3A_796, %broadcast_in_dim3A_798, %broadcast_in_dim3A_800 : vector<16xi1>, vector<16xi32>
    %broadcast_in_dim3A_802 = arith.constant 1013 : i32
    %broadcast_in_dim3A_803 = vector.broadcast %broadcast_in_dim3A_802 : i32 to vector<16xi32>
    %broadcast_in_dim3A_804 = arith.constant 2029 : i32
    %broadcast_in_dim3A_805 = vector.broadcast %broadcast_in_dim3A_804 : i32 to vector<16xi32>
    %select_n3A_806 = arith.select %eq3A_796, %broadcast_in_dim3A_803, %broadcast_in_dim3A_805 : vector<16xi1>, vector<16xi32>
    %mul3A_807 = arith.muli %add3A_771, %select_n3A_801 : vector<16xi32>
    %add3A_808 = arith.addi %mul3A_807, %select_n3A_806 : vector<16xi32>
    %jit3A_809 = arith.constant 100000 : i32
    %eq3A_810 = arith.constant 0 : i32
    %eq3A_811 = arith.cmpi eq, %jit3A_809, %eq3A_810 : i32
    %jit3A_812 = arith.constant 1 : i32
    %select_n3A_813 = arith.select %eq3A_811, %jit3A_812, %jit3A_809 : i32
    %rem3A_814 = vector.broadcast %select_n3A_813 : i32 to vector<16xi32>
    %rem3A_815 = arith.remsi %add3A_808, %rem3A_814 : vector<16xi32>
    %ne3A_816 = arith.constant 0 : i32
    %ne3A_817 = vector.broadcast %ne3A_816 : i32 to vector<16xi32>
    %ne3A_818 = arith.cmpi ne, %rem3A_815, %ne3A_817 : vector<16xi32>
    %lt3A_819 = arith.constant 0 : i32
    %lt3A_820 = vector.broadcast %lt3A_819 : i32 to vector<16xi32>
    %lt3A_821 = arith.cmpi slt, %rem3A_815, %lt3A_820 : vector<16xi32>
    %lt3A_822 = arith.constant 0 : i32
    %lt3A_823 = arith.cmpi slt, %select_n3A_813, %lt3A_822 : i32
    %ne3A_824 = vector.broadcast %lt3A_823 : i1 to vector<16xi1>
    %ne3A_825 = vector.broadcast %ne3A_824 : vector<16xi1> to vector<16xi1>
    %ne3A_826 = arith.xori %lt3A_821, %ne3A_825 : vector<16xi1>
    %and3A_827 = arith.andi %ne3A_826, %ne3A_818 : vector<16xi1>
    %add3A_828 = vector.broadcast %select_n3A_813 : i32 to vector<16xi32>
    %add3A_829 = arith.addi %rem3A_815, %add3A_828 : vector<16xi32>
    %select_n3A_830 = arith.select %and3A_827, %add3A_829, %rem3A_815 : vector<16xi1>, vector<16xi32>
    %swap3A_831 = arith.constant 48 : index
    %swap3A_832 = tpu.vector_load %arg17[%swap3A_831] {strides = array<i32>} : memref<128xi32, #tpu.memory_space<vmem>>, vector<16xi32>,
    tpu.vector_store %arg17[%swap3A_831], %select_n3A_830 {strides = array<i32>} : memref<128xi32, #tpu.memory_space<vmem>>, vector<16xi32>,
    %add3A_833 = arith.constant 64 : i32
    %add3A_834 = vector.broadcast %add3A_833 : i32 to vector<16xi32>
    %add3A_835 = arith.addi %add3A_834, %iota3A : vector<16xi32>
    %shift_right_arithmetic3A_836 = arith.constant 1 : i32
    %shift_right_arithmetic3A_837 = vector.broadcast %shift_right_arithmetic3A_836 : i32 to vector<16xi32>
    %shift_right_arithmetic3A_838 = arith.shrsi %add3A_835, %shift_right_arithmetic3A_837 : vector<16xi32>
    %add3A_839 = vector.broadcast %mul3A_4 : i32 to vector<16xi32>
    %add3A_840 = arith.addi %add3A_839, %shift_right_arithmetic3A_838 : vector<16xi32>
    %jit3A_841 = arith.constant 2 : i32
    %eq3A_842 = arith.constant 0 : i32
    %eq3A_843 = arith.cmpi eq, %jit3A_841, %eq3A_842 : i32
    %jit3A_844 = arith.constant 1 : i32
    %select_n3A_845 = arith.select %eq3A_843, %jit3A_844, %jit3A_841 : i32
    %rem3A_846 = vector.broadcast %select_n3A_845 : i32 to vector<16xi32>
    %rem3A_847 = arith.remsi %add3A_835, %rem3A_846 : vector<16xi32>
    %ne3A_848 = arith.constant 0 : i32
    %ne3A_849 = vector.broadcast %ne3A_848 : i32 to vector<16xi32>
    %ne3A_850 = arith.cmpi ne, %rem3A_847, %ne3A_849 : vector<16xi32>
    %lt3A_851 = arith.constant 0 : i32
    %lt3A_852 = vector.broadcast %lt3A_851 : i32 to vector<16xi32>
    %lt3A_853 = arith.cmpi slt, %rem3A_847, %lt3A_852 : vector<16xi32>
    %lt3A_854 = arith.constant 0 : i32
    %lt3A_855 = arith.cmpi slt, %select_n3A_845, %lt3A_854 : i32
    %ne3A_856 = vector.broadcast %lt3A_855 : i1 to vector<16xi1>
    %ne3A_857 = vector.broadcast %ne3A_856 : vector<16xi1> to vector<16xi1>
    %ne3A_858 = arith.xori %lt3A_853, %ne3A_857 : vector<16xi1>
    %and3A_859 = arith.andi %ne3A_858, %ne3A_850 : vector<16xi1>
    %add3A_860 = vector.broadcast %select_n3A_845 : i32 to vector<16xi32>
    %add3A_861 = arith.addi %rem3A_847, %add3A_860 : vector<16xi32>
    %select_n3A_862 = arith.select %and3A_859, %add3A_861, %rem3A_847 : vector<16xi1>, vector<16xi32>
    %eq3A_863 = arith.constant 0 : i32
    %eq3A_864 = vector.broadcast %eq3A_863 : i32 to vector<16xi32>
    %eq3A_865 = arith.cmpi eq, %select_n3A_862, %eq3A_864 : vector<16xi32>
    %broadcast_in_dim3A_866 = arith.constant 92821 : i32
    %broadcast_in_dim3A_867 = vector.broadcast %broadcast_in_dim3A_866 : i32 to vector<16xi32>
    %broadcast_in_dim3A_868 = arith.constant 48271 : i32
    %broadcast_in_dim3A_869 = vector.broadcast %broadcast_in_dim3A_868 : i32 to vector<16xi32>
    %select_n3A_870 = arith.select %eq3A_865, %broadcast_in_dim3A_867, %broadcast_in_dim3A_869 : vector<16xi1>, vector<16xi32>
    %broadcast_in_dim3A_871 = arith.constant 1013 : i32
    %broadcast_in_dim3A_872 = vector.broadcast %broadcast_in_dim3A_871 : i32 to vector<16xi32>
    %broadcast_in_dim3A_873 = arith.constant 2029 : i32
    %broadcast_in_dim3A_874 = vector.broadcast %broadcast_in_dim3A_873 : i32 to vector<16xi32>
    %select_n3A_875 = arith.select %eq3A_865, %broadcast_in_dim3A_872, %broadcast_in_dim3A_874 : vector<16xi1>, vector<16xi32>
    %mul3A_876 = arith.muli %add3A_840, %select_n3A_870 : vector<16xi32>
    %add3A_877 = arith.addi %mul3A_876, %select_n3A_875 : vector<16xi32>
    %jit3A_878 = arith.constant 100000 : i32
    %eq3A_879 = arith.constant 0 : i32
    %eq3A_880 = arith.cmpi eq, %jit3A_878, %eq3A_879 : i32
    %jit3A_881 = arith.constant 1 : i32
    %select_n3A_882 = arith.select %eq3A_880, %jit3A_881, %jit3A_878 : i32
    %rem3A_883 = vector.broadcast %select_n3A_882 : i32 to vector<16xi32>
    %rem3A_884 = arith.remsi %add3A_877, %rem3A_883 : vector<16xi32>
    %ne3A_885 = arith.constant 0 : i32
    %ne3A_886 = vector.broadcast %ne3A_885 : i32 to vector<16xi32>
    %ne3A_887 = arith.cmpi ne, %rem3A_884, %ne3A_886 : vector<16xi32>
    %lt3A_888 = arith.constant 0 : i32
    %lt3A_889 = vector.broadcast %lt3A_888 : i32 to vector<16xi32>
    %lt3A_890 = arith.cmpi slt, %rem3A_884, %lt3A_889 : vector<16xi32>
    %lt3A_891 = arith.constant 0 : i32
    %lt3A_892 = arith.cmpi slt, %select_n3A_882, %lt3A_891 : i32
    %ne3A_893 = vector.broadcast %lt3A_892 : i1 to vector<16xi1>
    %ne3A_894 = vector.broadcast %ne3A_893 : vector<16xi1> to vector<16xi1>
    %ne3A_895 = arith.xori %lt3A_890, %ne3A_894 : vector<16xi1>
    %and3A_896 = arith.andi %ne3A_895, %ne3A_887 : vector<16xi1>
    %add3A_897 = vector.broadcast %select_n3A_882 : i32 to vector<16xi32>
    %add3A_898 = arith.addi %rem3A_884, %add3A_897 : vector<16xi32>
    %select_n3A_899 = arith.select %and3A_896, %add3A_898, %rem3A_884 : vector<16xi1>, vector<16xi32>
    %swap3A_900 = arith.constant 64 : index
    %swap3A_901 = tpu.vector_load %arg17[%swap3A_900] {strides = array<i32>} : memref<128xi32, #tpu.memory_space<vmem>>, vector<16xi32>,
    tpu.vector_store %arg17[%swap3A_900], %select_n3A_899 {strides = array<i32>} : memref<128xi32, #tpu.memory_space<vmem>>, vector<16xi32>,
    %add3A_902 = arith.constant 80 : i32
    %add3A_903 = vector.broadcast %add3A_902 : i32 to vector<16xi32>
    %add3A_904 = arith.addi %add3A_903, %iota3A : vector<16xi32>
    %shift_right_arithmetic3A_905 = arith.constant 1 : i32
    %shift_right_arithmetic3A_906 = vector.broadcast %shift_right_arithmetic3A_905 : i32 to vector<16xi32>
    %shift_right_arithmetic3A_907 = arith.shrsi %add3A_904, %shift_right_arithmetic3A_906 : vector<16xi32>
    %add3A_908 = vector.broadcast %mul3A_4 : i32 to vector<16xi32>
    %add3A_909 = arith.addi %add3A_908, %shift_right_arithmetic3A_907 : vector<16xi32>
    %jit3A_910 = arith.constant 2 : i32
    %eq3A_911 = arith.constant 0 : i32
    %eq3A_912 = arith.cmpi eq, %jit3A_910, %eq3A_911 : i32
    %jit3A_913 = arith.constant 1 : i32
    %select_n3A_914 = arith.select %eq3A_912, %jit3A_913, %jit3A_910 : i32
    %rem3A_915 = vector.broadcast %select_n3A_914 : i32 to vector<16xi32>
    %rem3A_916 = arith.remsi %add3A_904, %rem3A_915 : vector<16xi32>
    %ne3A_917 = arith.constant 0 : i32
    %ne3A_918 = vector.broadcast %ne3A_917 : i32 to vector<16xi32>
    %ne3A_919 = arith.cmpi ne, %rem3A_916, %ne3A_918 : vector<16xi32>
    %lt3A_920 = arith.constant 0 : i32
    %lt3A_921 = vector.broadcast %lt3A_920 : i32 to vector<16xi32>
    %lt3A_922 = arith.cmpi slt, %rem3A_916, %lt3A_921 : vector<16xi32>
    %lt3A_923 = arith.constant 0 : i32
    %lt3A_924 = arith.cmpi slt, %select_n3A_914, %lt3A_923 : i32
    %ne3A_925 = vector.broadcast %lt3A_924 : i1 to vector<16xi1>
    %ne3A_926 = vector.broadcast %ne3A_925 : vector<16xi1> to vector<16xi1>
    %ne3A_927 = arith.xori %lt3A_922, %ne3A_926 : vector<16xi1>
    %and3A_928 = arith.andi %ne3A_927, %ne3A_919 : vector<16xi1>
    %add3A_929 = vector.broadcast %select_n3A_914 : i32 to vector<16xi32>
    %add3A_930 = arith.addi %rem3A_916, %add3A_929 : vector<16xi32>
    %select_n3A_931 = arith.select %and3A_928, %add3A_930, %rem3A_916 : vector<16xi1>, vector<16xi32>
    %eq3A_932 = arith.constant 0 : i32
    %eq3A_933 = vector.broadcast %eq3A_932 : i32 to vector<16xi32>
    %eq3A_934 = arith.cmpi eq, %select_n3A_931, %eq3A_933 : vector<16xi32>
    %broadcast_in_dim3A_935 = arith.constant 92821 : i32
    %broadcast_in_dim3A_936 = vector.broadcast %broadcast_in_dim3A_935 : i32 to vector<16xi32>
    %broadcast_in_dim3A_937 = arith.constant 48271 : i32
    %broadcast_in_dim3A_938 = vector.broadcast %broadcast_in_dim3A_937 : i32 to vector<16xi32>
    %select_n3A_939 = arith.select %eq3A_934, %broadcast_in_dim3A_936, %broadcast_in_dim3A_938 : vector<16xi1>, vector<16xi32>
    %broadcast_in_dim3A_940 = arith.constant 1013 : i32
    %broadcast_in_dim3A_941 = vector.broadcast %broadcast_in_dim3A_940 : i32 to vector<16xi32>
    %broadcast_in_dim3A_942 = arith.constant 2029 : i32
    %broadcast_in_dim3A_943 = vector.broadcast %broadcast_in_dim3A_942 : i32 to vector<16xi32>
    %select_n3A_944 = arith.select %eq3A_934, %broadcast_in_dim3A_941, %broadcast_in_dim3A_943 : vector<16xi1>, vector<16xi32>
    %mul3A_945 = arith.muli %add3A_909, %select_n3A_939 : vector<16xi32>
    %add3A_946 = arith.addi %mul3A_945, %select_n3A_944 : vector<16xi32>
    %jit3A_947 = arith.constant 100000 : i32
    %eq3A_948 = arith.constant 0 : i32
    %eq3A_949 = arith.cmpi eq, %jit3A_947, %eq3A_948 : i32
    %jit3A_950 = arith.constant 1 : i32
    %select_n3A_951 = arith.select %eq3A_949, %jit3A_950, %jit3A_947 : i32
    %rem3A_952 = vector.broadcast %select_n3A_951 : i32 to vector<16xi32>
    %rem3A_953 = arith.remsi %add3A_946, %rem3A_952 : vector<16xi32>
    %ne3A_954 = arith.constant 0 : i32
    %ne3A_955 = vector.broadcast %ne3A_954 : i32 to vector<16xi32>
    %ne3A_956 = arith.cmpi ne, %rem3A_953, %ne3A_955 : vector<16xi32>
    %lt3A_957 = arith.constant 0 : i32
    %lt3A_958 = vector.broadcast %lt3A_957 : i32 to vector<16xi32>
    %lt3A_959 = arith.cmpi slt, %rem3A_953, %lt3A_958 : vector<16xi32>
    %lt3A_960 = arith.constant 0 : i32
    %lt3A_961 = arith.cmpi slt, %select_n3A_951, %lt3A_960 : i32
    %ne3A_962 = vector.broadcast %lt3A_961 : i1 to vector<16xi1>
    %ne3A_963 = vector.broadcast %ne3A_962 : vector<16xi1> to vector<16xi1>
    %ne3A_964 = arith.xori %lt3A_959, %ne3A_963 : vector<16xi1>
    %and3A_965 = arith.andi %ne3A_964, %ne3A_956 : vector<16xi1>
    %add3A_966 = vector.broadcast %select_n3A_951 : i32 to vector<16xi32>
    %add3A_967 = arith.addi %rem3A_953, %add3A_966 : vector<16xi32>
    %select_n3A_968 = arith.select %and3A_965, %add3A_967, %rem3A_953 : vector<16xi1>, vector<16xi32>
    %swap3A_969 = arith.constant 80 : index
    %swap3A_970 = tpu.vector_load %arg17[%swap3A_969] {strides = array<i32>} : memref<128xi32, #tpu.memory_space<vmem>>, vector<16xi32>,
    tpu.vector_store %arg17[%swap3A_969], %select_n3A_968 {strides = array<i32>} : memref<128xi32, #tpu.memory_space<vmem>>, vector<16xi32>,
    %add3A_971 = arith.constant 96 : i32
    %add3A_972 = vector.broadcast %add3A_971 : i32 to vector<16xi32>
    %add3A_973 = arith.addi %add3A_972, %iota3A : vector<16xi32>
    %shift_right_arithmetic3A_974 = arith.constant 1 : i32
    %shift_right_arithmetic3A_975 = vector.broadcast %shift_right_arithmetic3A_974 : i32 to vector<16xi32>
    %shift_right_arithmetic3A_976 = arith.shrsi %add3A_973, %shift_right_arithmetic3A_975 : vector<16xi32>
    %add3A_977 = vector.broadcast %mul3A_4 : i32 to vector<16xi32>
    %add3A_978 = arith.addi %add3A_977, %shift_right_arithmetic3A_976 : vector<16xi32>
    %jit3A_979 = arith.constant 2 : i32
    %eq3A_980 = arith.constant 0 : i32
    %eq3A_981 = arith.cmpi eq, %jit3A_979, %eq3A_980 : i32
    %jit3A_982 = arith.constant 1 : i32
    %select_n3A_983 = arith.select %eq3A_981, %jit3A_982, %jit3A_979 : i32
    %rem3A_984 = vector.broadcast %select_n3A_983 : i32 to vector<16xi32>
    %rem3A_985 = arith.remsi %add3A_973, %rem3A_984 : vector<16xi32>
    %ne3A_986 = arith.constant 0 : i32
    %ne3A_987 = vector.broadcast %ne3A_986 : i32 to vector<16xi32>
    %ne3A_988 = arith.cmpi ne, %rem3A_985, %ne3A_987 : vector<16xi32>
    %lt3A_989 = arith.constant 0 : i32
    %lt3A_990 = vector.broadcast %lt3A_989 : i32 to vector<16xi32>
    %lt3A_991 = arith.cmpi slt, %rem3A_985, %lt3A_990 : vector<16xi32>
    %lt3A_992 = arith.constant 0 : i32
    %lt3A_993 = arith.cmpi slt, %select_n3A_983, %lt3A_992 : i32
    %ne3A_994 = vector.broadcast %lt3A_993 : i1 to vector<16xi1>
    %ne3A_995 = vector.broadcast %ne3A_994 : vector<16xi1> to vector<16xi1>
    %ne3A_996 = arith.xori %lt3A_991, %ne3A_995 : vector<16xi1>
    %and3A_997 = arith.andi %ne3A_996, %ne3A_988 : vector<16xi1>
    %add3A_998 = vector.broadcast %select_n3A_983 : i32 to vector<16xi32>
    %add3A_999 = arith.addi %rem3A_985, %add3A_998 : vector<16xi32>
    %select_n3A_1000 = arith.select %and3A_997, %add3A_999, %rem3A_985 : vector<16xi1>, vector<16xi32>
    %eq3A_1001 = arith.constant 0 : i32
    %eq3A_1002 = vector.broadcast %eq3A_1001 : i32 to vector<16xi32>
    %eq3A_1003 = arith.cmpi eq, %select_n3A_1000, %eq3A_1002 : vector<16xi32>
    %broadcast_in_dim3A_1004 = arith.constant 92821 : i32
    %broadcast_in_dim3A_1005 = vector.broadcast %broadcast_in_dim3A_1004 : i32 to vector<16xi32>
    %broadcast_in_dim3A_1006 = arith.constant 48271 : i32
    %broadcast_in_dim3A_1007 = vector.broadcast %broadcast_in_dim3A_1006 : i32 to vector<16xi32>
    %select_n3A_1008 = arith.select %eq3A_1003, %broadcast_in_dim3A_1005, %broadcast_in_dim3A_1007 : vector<16xi1>, vector<16xi32>
    %broadcast_in_dim3A_1009 = arith.constant 1013 : i32
    %broadcast_in_dim3A_1010 = vector.broadcast %broadcast_in_dim3A_1009 : i32 to vector<16xi32>
    %broadcast_in_dim3A_1011 = arith.constant 2029 : i32
    %broadcast_in_dim3A_1012 = vector.broadcast %broadcast_in_dim3A_1011 : i32 to vector<16xi32>
    %select_n3A_1013 = arith.select %eq3A_1003, %broadcast_in_dim3A_1010, %broadcast_in_dim3A_1012 : vector<16xi1>, vector<16xi32>
    %mul3A_1014 = arith.muli %add3A_978, %select_n3A_1008 : vector<16xi32>
    %add3A_1015 = arith.addi %mul3A_1014, %select_n3A_1013 : vector<16xi32>
    %jit3A_1016 = arith.constant 100000 : i32
    %eq3A_1017 = arith.constant 0 : i32
    %eq3A_1018 = arith.cmpi eq, %jit3A_1016, %eq3A_1017 : i32
    %jit3A_1019 = arith.constant 1 : i32
    %select_n3A_1020 = arith.select %eq3A_1018, %jit3A_1019, %jit3A_1016 : i32
    %rem3A_1021 = vector.broadcast %select_n3A_1020 : i32 to vector<16xi32>
    %rem3A_1022 = arith.remsi %add3A_1015, %rem3A_1021 : vector<16xi32>
    %ne3A_1023 = arith.constant 0 : i32
    %ne3A_1024 = vector.broadcast %ne3A_1023 : i32 to vector<16xi32>
    %ne3A_1025 = arith.cmpi ne, %rem3A_1022, %ne3A_1024 : vector<16xi32>
    %lt3A_1026 = arith.constant 0 : i32
    %lt3A_1027 = vector.broadcast %lt3A_1026 : i32 to vector<16xi32>
    %lt3A_1028 = arith.cmpi slt, %rem3A_1022, %lt3A_1027 : vector<16xi32>
    %lt3A_1029 = arith.constant 0 : i32
    %lt3A_1030 = arith.cmpi slt, %select_n3A_1020, %lt3A_1029 : i32
    %ne3A_1031 = vector.broadcast %lt3A_1030 : i1 to vector<16xi1>
    %ne3A_1032 = vector.broadcast %ne3A_1031 : vector<16xi1> to vector<16xi1>
    %ne3A_1033 = arith.xori %lt3A_1028, %ne3A_1032 : vector<16xi1>
    %and3A_1034 = arith.andi %ne3A_1033, %ne3A_1025 : vector<16xi1>
    %add3A_1035 = vector.broadcast %select_n3A_1020 : i32 to vector<16xi32>
    %add3A_1036 = arith.addi %rem3A_1022, %add3A_1035 : vector<16xi32>
    %select_n3A_1037 = arith.select %and3A_1034, %add3A_1036, %rem3A_1022 : vector<16xi1>, vector<16xi32>
    %swap3A_1038 = arith.constant 96 : index
    %swap3A_1039 = tpu.vector_load %arg17[%swap3A_1038] {strides = array<i32>} : memref<128xi32, #tpu.memory_space<vmem>>, vector<16xi32>,
    tpu.vector_store %arg17[%swap3A_1038], %select_n3A_1037 {strides = array<i32>} : memref<128xi32, #tpu.memory_space<vmem>>, vector<16xi32>,
    %add3A_1040 = arith.constant 112 : i32
    %add3A_1041 = vector.broadcast %add3A_1040 : i32 to vector<16xi32>
    %add3A_1042 = arith.addi %add3A_1041, %iota3A : vector<16xi32>
    %shift_right_arithmetic3A_1043 = arith.constant 1 : i32
    %shift_right_arithmetic3A_1044 = vector.broadcast %shift_right_arithmetic3A_1043 : i32 to vector<16xi32>
    %shift_right_arithmetic3A_1045 = arith.shrsi %add3A_1042, %shift_right_arithmetic3A_1044 : vector<16xi32>
    %add3A_1046 = vector.broadcast %mul3A_4 : i32 to vector<16xi32>
    %add3A_1047 = arith.addi %add3A_1046, %shift_right_arithmetic3A_1045 : vector<16xi32>
    %jit3A_1048 = arith.constant 2 : i32
    %eq3A_1049 = arith.constant 0 : i32
    %eq3A_1050 = arith.cmpi eq, %jit3A_1048, %eq3A_1049 : i32
    %jit3A_1051 = arith.constant 1 : i32
    %select_n3A_1052 = arith.select %eq3A_1050, %jit3A_1051, %jit3A_1048 : i32
    %rem3A_1053 = vector.broadcast %select_n3A_1052 : i32 to vector<16xi32>
    %rem3A_1054 = arith.remsi %add3A_1042, %rem3A_1053 : vector<16xi32>
    %ne3A_1055 = arith.constant 0 : i32
    %ne3A_1056 = vector.broadcast %ne3A_1055 : i32 to vector<16xi32>
    %ne3A_1057 = arith.cmpi ne, %rem3A_1054, %ne3A_1056 : vector<16xi32>
    %lt3A_1058 = arith.constant 0 : i32
    %lt3A_1059 = vector.broadcast %lt3A_1058 : i32 to vector<16xi32>
    %lt3A_1060 = arith.cmpi slt, %rem3A_1054, %lt3A_1059 : vector<16xi32>
    %lt3A_1061 = arith.constant 0 : i32
    %lt3A_1062 = arith.cmpi slt, %select_n3A_1052, %lt3A_1061 : i32
    %ne3A_1063 = vector.broadcast %lt3A_1062 : i1 to vector<16xi1>
    %ne3A_1064 = vector.broadcast %ne3A_1063 : vector<16xi1> to vector<16xi1>
    %ne3A_1065 = arith.xori %lt3A_1060, %ne3A_1064 : vector<16xi1>
    %and3A_1066 = arith.andi %ne3A_1065, %ne3A_1057 : vector<16xi1>
    %add3A_1067 = vector.broadcast %select_n3A_1052 : i32 to vector<16xi32>
    %add3A_1068 = arith.addi %rem3A_1054, %add3A_1067 : vector<16xi32>
    %select_n3A_1069 = arith.select %and3A_1066, %add3A_1068, %rem3A_1054 : vector<16xi1>, vector<16xi32>
    %eq3A_1070 = arith.constant 0 : i32
    %eq3A_1071 = vector.broadcast %eq3A_1070 : i32 to vector<16xi32>
    %eq3A_1072 = arith.cmpi eq, %select_n3A_1069, %eq3A_1071 : vector<16xi32>
    %broadcast_in_dim3A_1073 = arith.constant 92821 : i32
    %broadcast_in_dim3A_1074 = vector.broadcast %broadcast_in_dim3A_1073 : i32 to vector<16xi32>
    %broadcast_in_dim3A_1075 = arith.constant 48271 : i32
    %broadcast_in_dim3A_1076 = vector.broadcast %broadcast_in_dim3A_1075 : i32 to vector<16xi32>
    %select_n3A_1077 = arith.select %eq3A_1072, %broadcast_in_dim3A_1074, %broadcast_in_dim3A_1076 : vector<16xi1>, vector<16xi32>
    %broadcast_in_dim3A_1078 = arith.constant 1013 : i32
    %broadcast_in_dim3A_1079 = vector.broadcast %broadcast_in_dim3A_1078 : i32 to vector<16xi32>
    %broadcast_in_dim3A_1080 = arith.constant 2029 : i32
    %broadcast_in_dim3A_1081 = vector.broadcast %broadcast_in_dim3A_1080 : i32 to vector<16xi32>
    %select_n3A_1082 = arith.select %eq3A_1072, %broadcast_in_dim3A_1079, %broadcast_in_dim3A_1081 : vector<16xi1>, vector<16xi32>
    %mul3A_1083 = arith.muli %add3A_1047, %select_n3A_1077 : vector<16xi32>
    %add3A_1084 = arith.addi %mul3A_1083, %select_n3A_1082 : vector<16xi32>
    %jit3A_1085 = arith.constant 100000 : i32
    %eq3A_1086 = arith.constant 0 : i32
    %eq3A_1087 = arith.cmpi eq, %jit3A_1085, %eq3A_1086 : i32
    %jit3A_1088 = arith.constant 1 : i32
    %select_n3A_1089 = arith.select %eq3A_1087, %jit3A_1088, %jit3A_1085 : i32
    %rem3A_1090 = vector.broadcast %select_n3A_1089 : i32 to vector<16xi32>
    %rem3A_1091 = arith.remsi %add3A_1084, %rem3A_1090 : vector<16xi32>
    %ne3A_1092 = arith.constant 0 : i32
    %ne3A_1093 = vector.broadcast %ne3A_1092 : i32 to vector<16xi32>
    %ne3A_1094 = arith.cmpi ne, %rem3A_1091, %ne3A_1093 : vector<16xi32>
    %lt3A_1095 = arith.constant 0 : i32
    %lt3A_1096 = vector.broadcast %lt3A_1095 : i32 to vector<16xi32>
    %lt3A_1097 = arith.cmpi slt, %rem3A_1091, %lt3A_1096 : vector<16xi32>
    %lt3A_1098 = arith.constant 0 : i32
    %lt3A_1099 = arith.cmpi slt, %select_n3A_1089, %lt3A_1098 : i32
    %ne3A_1100 = vector.broadcast %lt3A_1099 : i1 to vector<16xi1>
    %ne3A_1101 = vector.broadcast %ne3A_1100 : vector<16xi1> to vector<16xi1>
    %ne3A_1102 = arith.xori %lt3A_1097, %ne3A_1101 : vector<16xi1>
    %and3A_1103 = arith.andi %ne3A_1102, %ne3A_1094 : vector<16xi1>
    %add3A_1104 = vector.broadcast %select_n3A_1089 : i32 to vector<16xi32>
    %add3A_1105 = arith.addi %rem3A_1091, %add3A_1104 : vector<16xi32>
    %select_n3A_1106 = arith.select %and3A_1103, %add3A_1105, %rem3A_1091 : vector<16xi1>, vector<16xi32>
    %swap3A_1107 = arith.constant 112 : index
    %swap3A_1108 = tpu.vector_load %arg17[%swap3A_1107] {strides = array<i32>} : memref<128xi32, #tpu.memory_space<vmem>>, vector<16xi32>,
    tpu.vector_store %arg17[%swap3A_1107], %select_n3A_1106 {strides = array<i32>} : memref<128xi32, #tpu.memory_space<vmem>>, vector<16xi32>,
    %dma_start3A_1109 = arith.constant 0 : i32
    %dma_start3A_1110 = arith.constant 0 : i32
    %dma_start3A_1111 = tpu.memref_slice %arg4[%dma_start3A_1109, %dma_start3A_1110] : memref<100000x64xf32, #tpu.memory_space<hbm>> -> memref<100000x64xf32, #tpu.memory_space<hbm>>
    tpu.enqueue_indirect_dma source(%dma_start3A_1111 : memref<100000x64xf32, #tpu.memory_space<hbm>>) target(%arg12 : memref<128x64xf32, #tpu.memory_space<vmem>>) offsets(%arg17 : memref<128xi32, #tpu.memory_space<vmem>>) semaphore(%arg21 : memref<!tpu.dma_semaphore, #tpu.memory_space<semaphore_mem>>)
    %dma_wait3A_1112 = arith.constant 0 : i32
    %dma_wait3A_1113 = arith.constant 0 : i32
    %dma_wait3A_1114 = tpu.memref_slice %arg4[%dma_wait3A_1112, %dma_wait3A_1113] : memref<100000x64xf32, #tpu.memory_space<hbm>> -> memref<100000x64xf32, #tpu.memory_space<hbm>>
    tpu.wait_indirect_dma semaphore(%arg21 : memref<!tpu.dma_semaphore, #tpu.memory_space<semaphore_mem>>) src(%dma_wait3A_1114 : memref<100000x64xf32, #tpu.memory_space<hbm>>) dst(%arg12 : memref<128x64xf32, #tpu.memory_space<vmem>>)
    "tpu.region"() ({
      %run_scoped3A = tpu.sem_alloc : memref<!tpu.dma_semaphore, #tpu.memory_space<semaphore_mem>>
      %dma_start3A_1142 = arith.constant 0 : i32
      %dma_start3A_1143 = tpu.memref_slice %arg5[%mul3A_4, %dma_start3A_1142] : memref<1024x2xf32, #tpu.memory_space<hbm>> -> memref<64x2xf32, #tpu.memory_space<hbm>>
      %dma_start3A_1144 = arith.constant 0 : i32
      %dma_start3A_1145 = tpu.memref_slice %arg5[%mul3A_4, %dma_start3A_1144] : memref<1024x2xf32, #tpu.memory_space<hbm>> -> memref<64x2xf32, #tpu.memory_space<hbm>>
      tpu.enqueue_dma source(%dma_start3A_1145 : memref<64x2xf32, #tpu.memory_space<hbm>>) target(%arg18 : memref<64x2xf32, #tpu.memory_space<vmem>>) target_semaphore(%run_scoped3A : memref<!tpu.dma_semaphore, #tpu.memory_space<semaphore_mem>>)
      %dma_wait3A_1146 = arith.constant 0 : i32
      %dma_wait3A_1147 = tpu.memref_slice %arg5[%mul3A_4, %dma_wait3A_1146] : memref<1024x2xf32, #tpu.memory_space<hbm>> -> memref<64x2xf32, #tpu.memory_space<hbm>>
      %dma_wait3A_1148 = arith.constant 0 : i32
      %dma_wait3A_1149 = tpu.memref_slice %arg5[%mul3A_4, %dma_wait3A_1148] : memref<1024x2xf32, #tpu.memory_space<hbm>> -> memref<64x2xf32, #tpu.memory_space<hbm>>
      tpu.wait_dma2 semaphore(%run_scoped3A : memref<!tpu.dma_semaphore, #tpu.memory_space<semaphore_mem>>) src(%dma_wait3A_1149 : memref<64x2xf32, #tpu.memory_space<hbm>>) dst(%arg18 : memref<64x2xf32, #tpu.memory_space<vmem>>)
      tpu.yield
    }) : () -> ()
    %scan3A_1115 = arith.constant 0 : i32
    %scan3A_1116 = arith.constant 0 : i32
    %scan3A_1117 = arith.constant 64 : i32
    %scan3A_1118 = arith.addi %scan3A_1116, %scan3A_1117 : i32
    %scan3A_1119 = arith.constant 1 : i32
    %scan3A_1120 = scf.for %scan3A_1142 = %scan3A_1116 to %scan3A_1118 step %scan3A_1119 iter_args(%scan3A_1143 = %scan3A_1115) -> (i32)  : i32 {
      %broadcast_in_dim3A_1144 = vector.broadcast %scan3A_1142 : i32 to vector<16xi32>
      %broadcast_in_dim3A_1145 = arith.constant 0 : i32
      %broadcast_in_dim3A_1146 = vector.broadcast %broadcast_in_dim3A_1145 : i32 to vector<16xi32>
      %gather3A = tpu.vector_load_idx %arg18[%broadcast_in_dim3A_1144, %broadcast_in_dim3A_1146] : memref<64x2xf32, #tpu.memory_space<vmem>>[vector<16xi32>, vector<16xi32>], vector<16xf32>,
      %add3A_1147 = arith.constant 1 : i32
      %add3A_1148 = vector.broadcast %add3A_1147 : i32 to vector<16xi32>
      %add3A_1149 = arith.addi %broadcast_in_dim3A_1146, %add3A_1148 : vector<16xi32>
      %gather3A_1150 = tpu.vector_load_idx %arg18[%broadcast_in_dim3A_1144, %add3A_1149] : memref<64x2xf32, #tpu.memory_space<vmem>>[vector<16xi32>, vector<16xi32>], vector<16xf32>,
      %mul3A_1151 = arith.constant 2 : i32
      %mul3A_1152 = arith.muli %mul3A_1151, %scan3A_1142 : i32
      %get3A = arith.index_cast %mul3A_1152 : i32 to index
      %get3A_1153 = arith.constant 0 : index
      %get3A_1154 = tpu.vector_load %arg12[%get3A, %get3A_1153] {strides = array<i32>} : memref<128x64xf32, #tpu.memory_space<vmem>>, vector<16xf32>,
      %mul3A_1155 = arith.mulf %gather3A, %get3A_1154 : vector<16xf32>
      %mul3A_1156 = arith.constant 2 : i32
      %mul3A_1157 = arith.muli %mul3A_1156, %scan3A_1142 : i32
      %add3A_1158 = arith.constant 1 : i32
      %add3A_1159 = arith.addi %mul3A_1157, %add3A_1158 : i32
      %get3A_1160 = arith.index_cast %add3A_1159 : i32 to index
      %get3A_1161 = arith.constant 0 : index
      %get3A_1162 = tpu.vector_load %arg12[%get3A_1160, %get3A_1161] {strides = array<i32>} : memref<128x64xf32, #tpu.memory_space<vmem>>, vector<16xf32>,
      %mul3A_1163 = arith.mulf %gather3A_1150, %get3A_1162 : vector<16xf32>
      %add3A_1164 = arith.addf %mul3A_1155, %mul3A_1163 : vector<16xf32>
      %swap3A_1165 = arith.index_cast %scan3A_1142 : i32 to index
      %swap3A_1166 = arith.constant 0 : index
      %swap3A_1167 = tpu.vector_load %arg13[%swap3A_1165, %swap3A_1166] {strides = array<i32>} : memref<64x64xf32, #tpu.memory_space<vmem>>, vector<16xf32>,
      tpu.vector_store %arg13[%swap3A_1165, %swap3A_1166], %add3A_1164 {strides = array<i32>} : memref<64x64xf32, #tpu.memory_space<vmem>>, vector<16xf32>,
      %mul3A_1168 = arith.constant 2 : i32
      %mul3A_1169 = arith.muli %mul3A_1168, %scan3A_1142 : i32
      %get3A_1170 = arith.index_cast %mul3A_1169 : i32 to index
      %get3A_1171 = arith.constant 16 : index
      %get3A_1172 = tpu.vector_load %arg12[%get3A_1170, %get3A_1171] {strides = array<i32>} : memref<128x64xf32, #tpu.memory_space<vmem>>, vector<16xf32>,
      %mul3A_1173 = arith.mulf %gather3A, %get3A_1172 : vector<16xf32>
      %mul3A_1174 = arith.constant 2 : i32
      %mul3A_1175 = arith.muli %mul3A_1174, %scan3A_1142 : i32
      %add3A_1176 = arith.constant 1 : i32
      %add3A_1177 = arith.addi %mul3A_1175, %add3A_1176 : i32
      %get3A_1178 = arith.index_cast %add3A_1177 : i32 to index
      %get3A_1179 = arith.constant 16 : index
      %get3A_1180 = tpu.vector_load %arg12[%get3A_1178, %get3A_1179] {strides = array<i32>} : memref<128x64xf32, #tpu.memory_space<vmem>>, vector<16xf32>,
      %mul3A_1181 = arith.mulf %gather3A_1150, %get3A_1180 : vector<16xf32>
      %add3A_1182 = arith.addf %mul3A_1173, %mul3A_1181 : vector<16xf32>
      %swap3A_1183 = arith.index_cast %scan3A_1142 : i32 to index
      %swap3A_1184 = arith.constant 16 : index
      %swap3A_1185 = tpu.vector_load %arg13[%swap3A_1183, %swap3A_1184] {strides = array<i32>} : memref<64x64xf32, #tpu.memory_space<vmem>>, vector<16xf32>,
      tpu.vector_store %arg13[%swap3A_1183, %swap3A_1184], %add3A_1182 {strides = array<i32>} : memref<64x64xf32, #tpu.memory_space<vmem>>, vector<16xf32>,
      %mul3A_1186 = arith.constant 2 : i32
      %mul3A_1187 = arith.muli %mul3A_1186, %scan3A_1142 : i32
      %get3A_1188 = arith.index_cast %mul3A_1187 : i32 to index
      %get3A_1189 = arith.constant 32 : index
      %get3A_1190 = tpu.vector_load %arg12[%get3A_1188, %get3A_1189] {strides = array<i32>} : memref<128x64xf32, #tpu.memory_space<vmem>>, vector<16xf32>,
      %mul3A_1191 = arith.mulf %gather3A, %get3A_1190 : vector<16xf32>
      %mul3A_1192 = arith.constant 2 : i32
      %mul3A_1193 = arith.muli %mul3A_1192, %scan3A_1142 : i32
      %add3A_1194 = arith.constant 1 : i32
      %add3A_1195 = arith.addi %mul3A_1193, %add3A_1194 : i32
      %get3A_1196 = arith.index_cast %add3A_1195 : i32 to index
      %get3A_1197 = arith.constant 32 : index
      %get3A_1198 = tpu.vector_load %arg12[%get3A_1196, %get3A_1197] {strides = array<i32>} : memref<128x64xf32, #tpu.memory_space<vmem>>, vector<16xf32>,
      %mul3A_1199 = arith.mulf %gather3A_1150, %get3A_1198 : vector<16xf32>
      %add3A_1200 = arith.addf %mul3A_1191, %mul3A_1199 : vector<16xf32>
      %swap3A_1201 = arith.index_cast %scan3A_1142 : i32 to index
      %swap3A_1202 = arith.constant 32 : index
      %swap3A_1203 = tpu.vector_load %arg13[%swap3A_1201, %swap3A_1202] {strides = array<i32>} : memref<64x64xf32, #tpu.memory_space<vmem>>, vector<16xf32>,
      tpu.vector_store %arg13[%swap3A_1201, %swap3A_1202], %add3A_1200 {strides = array<i32>} : memref<64x64xf32, #tpu.memory_space<vmem>>, vector<16xf32>,
      %mul3A_1204 = arith.constant 2 : i32
      %mul3A_1205 = arith.muli %mul3A_1204, %scan3A_1142 : i32
      %get3A_1206 = arith.index_cast %mul3A_1205 : i32 to index
      %get3A_1207 = arith.constant 48 : index
      %get3A_1208 = tpu.vector_load %arg12[%get3A_1206, %get3A_1207] {strides = array<i32>} : memref<128x64xf32, #tpu.memory_space<vmem>>, vector<16xf32>,
      %mul3A_1209 = arith.mulf %gather3A, %get3A_1208 : vector<16xf32>
      %mul3A_1210 = arith.constant 2 : i32
      %mul3A_1211 = arith.muli %mul3A_1210, %scan3A_1142 : i32
      %add3A_1212 = arith.constant 1 : i32
      %add3A_1213 = arith.addi %mul3A_1211, %add3A_1212 : i32
      %get3A_1214 = arith.index_cast %add3A_1213 : i32 to index
      %get3A_1215 = arith.constant 48 : index
      %get3A_1216 = tpu.vector_load %arg12[%get3A_1214, %get3A_1215] {strides = array<i32>} : memref<128x64xf32, #tpu.memory_space<vmem>>, vector<16xf32>,
      %mul3A_1217 = arith.mulf %gather3A_1150, %get3A_1216 : vector<16xf32>
      %add3A_1218 = arith.addf %mul3A_1209, %mul3A_1217 : vector<16xf32>
      %swap3A_1219 = arith.index_cast %scan3A_1142 : i32 to index
      %swap3A_1220 = arith.constant 48 : index
      %swap3A_1221 = tpu.vector_load %arg13[%swap3A_1219, %swap3A_1220] {strides = array<i32>} : memref<64x64xf32, #tpu.memory_space<vmem>>, vector<16xf32>,
      tpu.vector_store %arg13[%swap3A_1219, %swap3A_1220], %add3A_1218 {strides = array<i32>} : memref<64x64xf32, #tpu.memory_space<vmem>>, vector<16xf32>,
      %scan3A_1222 = arith.constant 0 : i32
      scf.yield %scan3A_1222 : i32
    }
    %scan3A_1121 = arith.constant 64 : i32
    "tpu.region"() ({
      %run_scoped3A = tpu.sem_alloc : memref<!tpu.dma_semaphore, #tpu.memory_space<semaphore_mem>>
      %dma_start3A_1142 = arith.constant 0 : i32
      %dma_start3A_1143 = tpu.memref_slice %arg20[%mul3A_4, %dma_start3A_1142] : memref<1024x64xf32, #tpu.memory_space<vmem_shared>> -> memref<64x64xf32, #tpu.memory_space<vmem_shared>>
      %dma_start3A_1144 = arith.constant 0 : i32
      %dma_start3A_1145 = tpu.memref_slice %arg20[%mul3A_4, %dma_start3A_1144] : memref<1024x64xf32, #tpu.memory_space<vmem_shared>> -> memref<64x64xf32, #tpu.memory_space<vmem_shared>>
      tpu.enqueue_dma source(%arg13 : memref<64x64xf32, #tpu.memory_space<vmem>>) target(%dma_start3A_1145 : memref<64x64xf32, #tpu.memory_space<vmem_shared>>) target_semaphore(%run_scoped3A : memref<!tpu.dma_semaphore, #tpu.memory_space<semaphore_mem>>)
      %dma_wait3A_1146 = arith.constant 0 : i32
      %dma_wait3A_1147 = tpu.memref_slice %arg20[%mul3A_4, %dma_wait3A_1146] : memref<1024x64xf32, #tpu.memory_space<vmem_shared>> -> memref<64x64xf32, #tpu.memory_space<vmem_shared>>
      %dma_wait3A_1148 = arith.constant 0 : i32
      %dma_wait3A_1149 = tpu.memref_slice %arg20[%mul3A_4, %dma_wait3A_1148] : memref<1024x64xf32, #tpu.memory_space<vmem_shared>> -> memref<64x64xf32, #tpu.memory_space<vmem_shared>>
      tpu.wait_dma2 semaphore(%run_scoped3A : memref<!tpu.dma_semaphore, #tpu.memory_space<semaphore_mem>>) src(%arg13 : memref<64x64xf32, #tpu.memory_space<vmem>>) dst(%dma_wait3A_1149 : memref<64x64xf32, #tpu.memory_space<vmem_shared>>)
      tpu.yield
    }) : () -> ()
    %barrier3A = arith.constant 0 : index
    tpu.barrier barrier_id(%barrier3A)
    "tpu.region"() ({
      %run_scoped3A = tpu.sem_alloc : memref<!tpu.dma_semaphore, #tpu.memory_space<semaphore_mem>>
      tpu.enqueue_dma source(%arg19 : memref<1024x64xf32, #tpu.memory_space<vmem_shared>>) target(%arg10 : memref<1024x64xf32, #tpu.memory_space<vmem>>) target_semaphore(%run_scoped3A : memref<!tpu.dma_semaphore, #tpu.memory_space<semaphore_mem>>)
      tpu.wait_dma2 semaphore(%run_scoped3A : memref<!tpu.dma_semaphore, #tpu.memory_space<semaphore_mem>>) src(%arg19 : memref<1024x64xf32, #tpu.memory_space<vmem_shared>>) dst(%arg10 : memref<1024x64xf32, #tpu.memory_space<vmem>>)
      tpu.yield
    }) : () -> ()
    "tpu.region"() ({
      %run_scoped3A = tpu.sem_alloc : memref<!tpu.dma_semaphore, #tpu.memory_space<semaphore_mem>>
      %dma_start3A_1142 = tpu.memref_slice %arg6[%mul3A_2] : memref<16384xi32, #tpu.memory_space<hbm>> -> memref<512xi32, #tpu.memory_space<hbm>>
      %dma_start3A_1143 = tpu.memref_slice %arg6[%mul3A_2] : memref<16384xi32, #tpu.memory_space<hbm>> -> memref<512xi32, #tpu.memory_space<hbm>>
      tpu.enqueue_dma source(%dma_start3A_1143 : memref<512xi32, #tpu.memory_space<hbm>>) target(%arg14 : memref<512xi32, #tpu.memory_space<vmem>>) target_semaphore(%run_scoped3A : memref<!tpu.dma_semaphore, #tpu.memory_space<semaphore_mem>>)
      %dma_wait3A_1144 = tpu.memref_slice %arg6[%mul3A_2] : memref<16384xi32, #tpu.memory_space<hbm>> -> memref<512xi32, #tpu.memory_space<hbm>>
      %dma_wait3A_1145 = tpu.memref_slice %arg6[%mul3A_2] : memref<16384xi32, #tpu.memory_space<hbm>> -> memref<512xi32, #tpu.memory_space<hbm>>
      tpu.wait_dma2 semaphore(%run_scoped3A : memref<!tpu.dma_semaphore, #tpu.memory_space<semaphore_mem>>) src(%dma_wait3A_1145 : memref<512xi32, #tpu.memory_space<hbm>>) dst(%arg14 : memref<512xi32, #tpu.memory_space<vmem>>)
      tpu.yield
    }) : () -> ()
    %scan3A_1122 = arith.constant 0 : i32
    %scan3A_1123 = arith.constant 0 : i32
    %scan3A_1124 = arith.constant 32 : i32
    %scan3A_1125 = arith.addi %scan3A_1123, %scan3A_1124 : i32
    %scan3A_1126 = arith.constant 1 : i32
    %scan3A_1127 = scf.for %scan3A_1142 = %scan3A_1123 to %scan3A_1125 step %scan3A_1126 iter_args(%scan3A_1143 = %scan3A_1122) -> (i32)  : i32 {
      %mul3A_1144 = arith.constant 16 : i32
      %mul3A_1145 = arith.muli %scan3A_1142, %mul3A_1144 : i32
      %get3A = arith.index_cast %mul3A_1145 : i32 to index
      %get3A_1146 = tpu.vector_load %arg14[%get3A] {strides = array<i32>} : memref<512xi32, #tpu.memory_space<vmem>>, vector<16xi32>,
      %mul3A_1147 = arith.constant 1000003 : i32
      %mul3A_1148 = vector.broadcast %mul3A_1147 : i32 to vector<16xi32>
      %mul3A_1149 = arith.muli %get3A_1146, %mul3A_1148 : vector<16xi32>
      %add3A_1150 = arith.constant 12345 : i32
      %add3A_1151 = vector.broadcast %add3A_1150 : i32 to vector<16xi32>
      %add3A_1152 = arith.addi %mul3A_1149, %add3A_1151 : vector<16xi32>
      %jit3A_1153 = arith.constant 1000 : i32
      %eq3A_1154 = arith.constant 0 : i32
      %eq3A_1155 = arith.cmpi eq, %jit3A_1153, %eq3A_1154 : i32
      %jit3A_1156 = arith.constant 1 : i32
      %select_n3A_1157 = arith.select %eq3A_1155, %jit3A_1156, %jit3A_1153 : i32
      %rem3A_1158 = vector.broadcast %select_n3A_1157 : i32 to vector<16xi32>
      %rem3A_1159 = arith.remsi %add3A_1152, %rem3A_1158 : vector<16xi32>
      %ne3A_1160 = arith.constant 0 : i32
      %ne3A_1161 = vector.broadcast %ne3A_1160 : i32 to vector<16xi32>
      %ne3A_1162 = arith.cmpi ne, %rem3A_1159, %ne3A_1161 : vector<16xi32>
      %lt3A_1163 = arith.constant 0 : i32
      %lt3A_1164 = vector.broadcast %lt3A_1163 : i32 to vector<16xi32>
      %lt3A_1165 = arith.cmpi slt, %rem3A_1159, %lt3A_1164 : vector<16xi32>
      %lt3A_1166 = arith.constant 0 : i32
      %lt3A_1167 = arith.cmpi slt, %select_n3A_1157, %lt3A_1166 : i32
      %ne3A_1168 = vector.broadcast %lt3A_1167 : i1 to vector<16xi1>
      %ne3A_1169 = vector.broadcast %ne3A_1168 : vector<16xi1> to vector<16xi1>
      %ne3A_1170 = arith.xori %lt3A_1165, %ne3A_1169 : vector<16xi1>
      %and3A_1171 = arith.andi %ne3A_1170, %ne3A_1162 : vector<16xi1>
      %add3A_1172 = vector.broadcast %select_n3A_1157 : i32 to vector<16xi32>
      %add3A_1173 = arith.addi %rem3A_1159, %add3A_1172 : vector<16xi32>
      %select_n3A_1174 = arith.select %and3A_1171, %add3A_1173, %rem3A_1159 : vector<16xi1>, vector<16xi32>
      %scan3A_1175 = arith.constant 0 : i32
      %scan3A_1176 = arith.constant 0 : i32
      %scan3A_1177 = arith.constant 64 : i32
      %scan3A_1178 = arith.addi %scan3A_1176, %scan3A_1177 : i32
      %scan3A_1179 = arith.constant 1 : i32
      %scan3A_1180 = scf.for %scan3A_1183 = %scan3A_1176 to %scan3A_1178 step %scan3A_1179 iter_args(%scan3A_1184 = %scan3A_1175) -> (i32)  : i32 {
        %broadcast_in_dim3A_1185 = vector.broadcast %scan3A_1183 : i32 to vector<16xi32>
        %gather3A = tpu.vector_load_idx %arg10[%select_n3A_1174, %broadcast_in_dim3A_1185] : memref<1024x64xf32, #tpu.memory_space<vmem>>[vector<16xi32>, vector<16xi32>], vector<16xf32>,
        %mul3A_1186 = arith.constant 512 : i32
        %mul3A_1187 = arith.muli %scan3A_1183, %mul3A_1186 : i32
        %mul3A_1188 = arith.constant 16 : i32
        %mul3A_1189 = arith.muli %scan3A_1142, %mul3A_1188 : i32
        %add3A_1190 = arith.addi %mul3A_1187, %mul3A_1189 : i32
        %swap3A_1191 = arith.index_cast %add3A_1190 : i32 to index
        %swap3A_1192 = tpu.vector_load %arg11[%swap3A_1191] {strides = array<i32>} : memref<32768xf32, #tpu.memory_space<vmem>>, vector<16xf32>,
        tpu.vector_store %arg11[%swap3A_1191], %gather3A {strides = array<i32>} : memref<32768xf32, #tpu.memory_space<vmem>>, vector<16xf32>,
        %scan3A_1193 = arith.constant 0 : i32
        scf.yield %scan3A_1193 : i32
      }
      %scan3A_1181 = arith.constant 64 : i32
      %scan3A_1182 = arith.constant 0 : i32
      scf.yield %scan3A_1182 : i32
    }
    %scan3A_1128 = arith.constant 32 : i32
    "tpu.region"() ({
      %run_scoped3A = tpu.sem_alloc : memref<!tpu.dma_semaphore, #tpu.memory_space<semaphore_mem>>
      tpu.enqueue_dma source(%arg20 : memref<1024x64xf32, #tpu.memory_space<vmem_shared>>) target(%arg10 : memref<1024x64xf32, #tpu.memory_space<vmem>>) target_semaphore(%run_scoped3A : memref<!tpu.dma_semaphore, #tpu.memory_space<semaphore_mem>>)
      tpu.wait_dma2 semaphore(%run_scoped3A : memref<!tpu.dma_semaphore, #tpu.memory_space<semaphore_mem>>) src(%arg20 : memref<1024x64xf32, #tpu.memory_space<vmem_shared>>) dst(%arg10 : memref<1024x64xf32, #tpu.memory_space<vmem>>)
      tpu.yield
    }) : () -> ()
    "tpu.region"() ({
      %run_scoped3A = tpu.sem_alloc : memref<!tpu.dma_semaphore, #tpu.memory_space<semaphore_mem>>
      %dma_start3A_1142 = tpu.memref_slice %arg7[%mul3A_2] : memref<16384xi32, #tpu.memory_space<hbm>> -> memref<512xi32, #tpu.memory_space<hbm>>
      %dma_start3A_1143 = tpu.memref_slice %arg7[%mul3A_2] : memref<16384xi32, #tpu.memory_space<hbm>> -> memref<512xi32, #tpu.memory_space<hbm>>
      tpu.enqueue_dma source(%dma_start3A_1143 : memref<512xi32, #tpu.memory_space<hbm>>) target(%arg14 : memref<512xi32, #tpu.memory_space<vmem>>) target_semaphore(%run_scoped3A : memref<!tpu.dma_semaphore, #tpu.memory_space<semaphore_mem>>)
      %dma_wait3A_1144 = tpu.memref_slice %arg7[%mul3A_2] : memref<16384xi32, #tpu.memory_space<hbm>> -> memref<512xi32, #tpu.memory_space<hbm>>
      %dma_wait3A_1145 = tpu.memref_slice %arg7[%mul3A_2] : memref<16384xi32, #tpu.memory_space<hbm>> -> memref<512xi32, #tpu.memory_space<hbm>>
      tpu.wait_dma2 semaphore(%run_scoped3A : memref<!tpu.dma_semaphore, #tpu.memory_space<semaphore_mem>>) src(%dma_wait3A_1145 : memref<512xi32, #tpu.memory_space<hbm>>) dst(%arg14 : memref<512xi32, #tpu.memory_space<vmem>>)
      tpu.yield
    }) : () -> ()
    %mul3A_1129 = arith.constant 4 : i32
    %mul3A_1130 = arith.muli %mul3A_2, %mul3A_1129 : i32
    "tpu.region"() ({
      %run_scoped3A = tpu.sem_alloc : memref<!tpu.dma_semaphore, #tpu.memory_space<semaphore_mem>>
      %dma_start3A_1142 = tpu.memref_slice %arg8[%mul3A_1130] : memref<65536xi32, #tpu.memory_space<hbm>> -> memref<2048xi32, #tpu.memory_space<hbm>>
      %dma_start3A_1143 = tpu.memref_slice %arg8[%mul3A_1130] : memref<65536xi32, #tpu.memory_space<hbm>> -> memref<2048xi32, #tpu.memory_space<hbm>>
      tpu.enqueue_dma source(%dma_start3A_1143 : memref<2048xi32, #tpu.memory_space<hbm>>) target(%arg15 : memref<2048xi32, #tpu.memory_space<vmem>>) target_semaphore(%run_scoped3A : memref<!tpu.dma_semaphore, #tpu.memory_space<semaphore_mem>>)
      %dma_wait3A_1144 = tpu.memref_slice %arg8[%mul3A_1130] : memref<65536xi32, #tpu.memory_space<hbm>> -> memref<2048xi32, #tpu.memory_space<hbm>>
      %dma_wait3A_1145 = tpu.memref_slice %arg8[%mul3A_1130] : memref<65536xi32, #tpu.memory_space<hbm>> -> memref<2048xi32, #tpu.memory_space<hbm>>
      tpu.wait_dma2 semaphore(%run_scoped3A : memref<!tpu.dma_semaphore, #tpu.memory_space<semaphore_mem>>) src(%dma_wait3A_1145 : memref<2048xi32, #tpu.memory_space<hbm>>) dst(%arg15 : memref<2048xi32, #tpu.memory_space<vmem>>)
      tpu.yield
    }) : () -> ()
    %scan3A_1131 = arith.constant 0 : i32
    %scan3A_1132 = arith.constant 0 : i32
    %scan3A_1133 = arith.constant 32 : i32
    %scan3A_1134 = arith.addi %scan3A_1132, %scan3A_1133 : i32
    %scan3A_1135 = arith.constant 1 : i32
    %scan3A_1136 = scf.for %scan3A_1142 = %scan3A_1132 to %scan3A_1134 step %scan3A_1135 iter_args(%scan3A_1143 = %scan3A_1131) -> (i32)  : i32 {
      %mul3A_1144 = arith.constant 16 : i32
      %mul3A_1145 = arith.muli %scan3A_1142, %mul3A_1144 : i32
      %add3A_1146 = vector.broadcast %mul3A_1145 : i32 to vector<16xi32>
      %add3A_1147 = arith.addi %add3A_1146, %iota3A : vector<16xi32>
      %mul3A_1148 = arith.constant 16 : i32
      %mul3A_1149 = arith.muli %scan3A_1142, %mul3A_1148 : i32
      %get3A = arith.index_cast %mul3A_1149 : i32 to index
      %get3A_1150 = tpu.vector_load %arg14[%get3A] {strides = array<i32>} : memref<512xi32, #tpu.memory_space<vmem>>, vector<16xi32>,
      %mul3A_1151 = arith.constant 1000003 : i32
      %mul3A_1152 = vector.broadcast %mul3A_1151 : i32 to vector<16xi32>
      %mul3A_1153 = arith.muli %get3A_1150, %mul3A_1152 : vector<16xi32>
      %add3A_1154 = arith.constant 12345 : i32
      %add3A_1155 = vector.broadcast %add3A_1154 : i32 to vector<16xi32>
      %add3A_1156 = arith.addi %mul3A_1153, %add3A_1155 : vector<16xi32>
      %jit3A_1157 = arith.constant 1000 : i32
      %eq3A_1158 = arith.constant 0 : i32
      %eq3A_1159 = arith.cmpi eq, %jit3A_1157, %eq3A_1158 : i32
      %jit3A_1160 = arith.constant 1 : i32
      %select_n3A_1161 = arith.select %eq3A_1159, %jit3A_1160, %jit3A_1157 : i32
      %rem3A_1162 = vector.broadcast %select_n3A_1161 : i32 to vector<16xi32>
      %rem3A_1163 = arith.remsi %add3A_1156, %rem3A_1162 : vector<16xi32>
      %ne3A_1164 = arith.constant 0 : i32
      %ne3A_1165 = vector.broadcast %ne3A_1164 : i32 to vector<16xi32>
      %ne3A_1166 = arith.cmpi ne, %rem3A_1163, %ne3A_1165 : vector<16xi32>
      %lt3A_1167 = arith.constant 0 : i32
      %lt3A_1168 = vector.broadcast %lt3A_1167 : i32 to vector<16xi32>
      %lt3A_1169 = arith.cmpi slt, %rem3A_1163, %lt3A_1168 : vector<16xi32>
      %lt3A_1170 = arith.constant 0 : i32
      %lt3A_1171 = arith.cmpi slt, %select_n3A_1161, %lt3A_1170 : i32
      %ne3A_1172 = vector.broadcast %lt3A_1171 : i1 to vector<16xi1>
      %ne3A_1173 = vector.broadcast %ne3A_1172 : vector<16xi1> to vector<16xi1>
      %ne3A_1174 = arith.xori %lt3A_1169, %ne3A_1173 : vector<16xi1>
      %and3A_1175 = arith.andi %ne3A_1174, %ne3A_1166 : vector<16xi1>
      %add3A_1176 = vector.broadcast %select_n3A_1161 : i32 to vector<16xi32>
      %add3A_1177 = arith.addi %rem3A_1163, %add3A_1176 : vector<16xi32>
      %select_n3A_1178 = arith.select %and3A_1175, %add3A_1177, %rem3A_1163 : vector<16xi1>, vector<16xi32>
      %mul3A_1179 = arith.constant 4 : i32
      %mul3A_1180 = vector.broadcast %mul3A_1179 : i32 to vector<16xi32>
      %mul3A_1181 = arith.muli %add3A_1147, %mul3A_1180 : vector<16xi32>
      %add3A_1182 = arith.constant 0 : i32
      %add3A_1183 = vector.broadcast %add3A_1182 : i32 to vector<16xi32>
      %add3A_1184 = arith.addi %mul3A_1181, %add3A_1183 : vector<16xi32>
      %gather3A = tpu.vector_load_idx %arg15[%add3A_1184] : memref<2048xi32, #tpu.memory_space<vmem>>[vector<16xi32>], vector<16xi32>,
      %mul3A_1185 = arith.constant 4 : i32
      %mul3A_1186 = vector.broadcast %mul3A_1185 : i32 to vector<16xi32>
      %mul3A_1187 = arith.muli %add3A_1147, %mul3A_1186 : vector<16xi32>
      %add3A_1188 = arith.constant 1 : i32
      %add3A_1189 = vector.broadcast %add3A_1188 : i32 to vector<16xi32>
      %add3A_1190 = arith.addi %mul3A_1187, %add3A_1189 : vector<16xi32>
      %gather3A_1191 = tpu.vector_load_idx %arg15[%add3A_1190] : memref<2048xi32, #tpu.memory_space<vmem>>[vector<16xi32>], vector<16xi32>,
      %mul3A_1192 = arith.constant 4 : i32
      %mul3A_1193 = vector.broadcast %mul3A_1192 : i32 to vector<16xi32>
      %mul3A_1194 = arith.muli %add3A_1147, %mul3A_1193 : vector<16xi32>
      %add3A_1195 = arith.constant 2 : i32
      %add3A_1196 = vector.broadcast %add3A_1195 : i32 to vector<16xi32>
      %add3A_1197 = arith.addi %mul3A_1194, %add3A_1196 : vector<16xi32>
      %gather3A_1198 = tpu.vector_load_idx %arg15[%add3A_1197] : memref<2048xi32, #tpu.memory_space<vmem>>[vector<16xi32>], vector<16xi32>,
      %mul3A_1199 = arith.constant 4 : i32
      %mul3A_1200 = vector.broadcast %mul3A_1199 : i32 to vector<16xi32>
      %mul3A_1201 = arith.muli %add3A_1147, %mul3A_1200 : vector<16xi32>
      %add3A_1202 = arith.constant 3 : i32
      %add3A_1203 = vector.broadcast %add3A_1202 : i32 to vector<16xi32>
      %add3A_1204 = arith.addi %mul3A_1201, %add3A_1203 : vector<16xi32>
      %gather3A_1205 = tpu.vector_load_idx %arg15[%add3A_1204] : memref<2048xi32, #tpu.memory_space<vmem>>[vector<16xi32>], vector<16xi32>,
      %broadcast_in_dim3A_1206 = arith.constant 0.000000e+00 : f32
      %broadcast_in_dim3A_1207 = vector.broadcast %broadcast_in_dim3A_1206 : f32 to vector<16xf32>
      %scan3A_1208 = arith.constant 0 : i32
      %scan3A_1209 = arith.constant 64 : i32
      %scan3A_1210 = arith.addi %scan3A_1208, %scan3A_1209 : i32
      %scan3A_1211 = arith.constant 1 : i32
      %scan3A_1212:5 = scf.for %scan3A_1245 = %scan3A_1208 to %scan3A_1210 step %scan3A_1211 iter_args(%scan3A_1246 = %broadcast_in_dim3A_1207, %scan3A_1247 = %broadcast_in_dim3A_1207, %scan3A_1248 = %broadcast_in_dim3A_1207, %scan3A_1249 = %broadcast_in_dim3A_1207, %scan3A_1250 = %broadcast_in_dim3A_1207) -> (vector<16xf32>, vector<16xf32>, vector<16xf32>, vector<16xf32>, vector<16xf32>)  : i32 {
        %broadcast_in_dim3A_1251 = vector.broadcast %scan3A_1245 : i32 to vector<16xi32>
        %mul3A_1252 = arith.constant 512 : i32
        %mul3A_1253 = arith.muli %scan3A_1245, %mul3A_1252 : i32
        %mul3A_1254 = arith.constant 16 : i32
        %mul3A_1255 = arith.muli %scan3A_1142, %mul3A_1254 : i32
        %add3A_1256 = arith.addi %mul3A_1253, %mul3A_1255 : i32
        %get3A_1257 = arith.index_cast %add3A_1256 : i32 to index
        %get3A_1258 = tpu.vector_load %arg11[%get3A_1257] {strides = array<i32>} : memref<32768xf32, #tpu.memory_space<vmem>>, vector<16xf32>,
        %gather3A_1259 = tpu.vector_load_idx %arg10[%select_n3A_1178, %broadcast_in_dim3A_1251] : memref<1024x64xf32, #tpu.memory_space<vmem>>[vector<16xi32>, vector<16xi32>], vector<16xf32>,
        %mul3A_1260 = arith.mulf %gather3A_1259, %get3A_1258 : vector<16xf32>
        %add3A_1261 = arith.addf %scan3A_1246, %mul3A_1260 : vector<16xf32>
        %gather3A_1262 = tpu.vector_load_idx %arg10[%gather3A, %broadcast_in_dim3A_1251] : memref<1024x64xf32, #tpu.memory_space<vmem>>[vector<16xi32>, vector<16xi32>], vector<16xf32>,
        %mul3A_1263 = arith.mulf %gather3A_1262, %get3A_1258 : vector<16xf32>
        %add3A_1264 = arith.addf %scan3A_1247, %mul3A_1263 : vector<16xf32>
        %gather3A_1265 = tpu.vector_load_idx %arg10[%gather3A_1191, %broadcast_in_dim3A_1251] : memref<1024x64xf32, #tpu.memory_space<vmem>>[vector<16xi32>, vector<16xi32>], vector<16xf32>,
        %mul3A_1266 = arith.mulf %gather3A_1265, %get3A_1258 : vector<16xf32>
        %add3A_1267 = arith.addf %scan3A_1248, %mul3A_1266 : vector<16xf32>
        %gather3A_1268 = tpu.vector_load_idx %arg10[%gather3A_1198, %broadcast_in_dim3A_1251] : memref<1024x64xf32, #tpu.memory_space<vmem>>[vector<16xi32>, vector<16xi32>], vector<16xf32>,
        %mul3A_1269 = arith.mulf %gather3A_1268, %get3A_1258 : vector<16xf32>
        %add3A_1270 = arith.addf %scan3A_1249, %mul3A_1269 : vector<16xf32>
        %gather3A_1271 = tpu.vector_load_idx %arg10[%gather3A_1205, %broadcast_in_dim3A_1251] : memref<1024x64xf32, #tpu.memory_space<vmem>>[vector<16xi32>, vector<16xi32>], vector<16xf32>,
        %mul3A_1272 = arith.mulf %gather3A_1271, %get3A_1258 : vector<16xf32>
        %add3A_1273 = arith.addf %scan3A_1250, %mul3A_1272 : vector<16xf32>
        scf.yield %add3A_1261, %add3A_1264, %add3A_1267, %add3A_1270, %add3A_1273 : vector<16xf32>, vector<16xf32>, vector<16xf32>, vector<16xf32>, vector<16xf32>
      }
      %scan3A_1213 = arith.constant 64 : i32
      %mul3A_1214 = arith.constant 5 : i32
      %mul3A_1215 = vector.broadcast %mul3A_1214 : i32 to vector<16xi32>
      %mul3A_1216 = arith.muli %add3A_1147, %mul3A_1215 : vector<16xi32>
      %add3A_1217 = arith.constant 0 : i32
      %add3A_1218 = vector.broadcast %add3A_1217 : i32 to vector<16xi32>
      %add3A_1219 = arith.addi %mul3A_1216, %add3A_1218 : vector<16xi32>
      tpu.vector_store_idx %arg16[%add3A_1219], %scan3A_1212#0 : memref<2560xf32, #tpu.memory_space<vmem>>[vector<16xi32>], vector<16xf32>,
      %mul3A_1220 = arith.constant 5 : i32
      %mul3A_1221 = vector.broadcast %mul3A_1220 : i32 to vector<16xi32>
      %mul3A_1222 = arith.muli %add3A_1147, %mul3A_1221 : vector<16xi32>
      %add3A_1223 = arith.constant 1 : i32
      %add3A_1224 = vector.broadcast %add3A_1223 : i32 to vector<16xi32>
      %add3A_1225 = arith.addi %mul3A_1222, %add3A_1224 : vector<16xi32>
      tpu.vector_store_idx %arg16[%add3A_1225], %scan3A_1212#1 : memref<2560xf32, #tpu.memory_space<vmem>>[vector<16xi32>], vector<16xf32>,
      %mul3A_1226 = arith.constant 5 : i32
      %mul3A_1227 = vector.broadcast %mul3A_1226 : i32 to vector<16xi32>
      %mul3A_1228 = arith.muli %add3A_1147, %mul3A_1227 : vector<16xi32>
      %add3A_1229 = arith.constant 2 : i32
      %add3A_1230 = vector.broadcast %add3A_1229 : i32 to vector<16xi32>
      %add3A_1231 = arith.addi %mul3A_1228, %add3A_1230 : vector<16xi32>
      tpu.vector_store_idx %arg16[%add3A_1231], %scan3A_1212#2 : memref<2560xf32, #tpu.memory_space<vmem>>[vector<16xi32>], vector<16xf32>,
      %mul3A_1232 = arith.constant 5 : i32
      %mul3A_1233 = vector.broadcast %mul3A_1232 : i32 to vector<16xi32>
      %mul3A_1234 = arith.muli %add3A_1147, %mul3A_1233 : vector<16xi32>
      %add3A_1235 = arith.constant 3 : i32
      %add3A_1236 = vector.broadcast %add3A_1235 : i32 to vector<16xi32>
      %add3A_1237 = arith.addi %mul3A_1234, %add3A_1236 : vector<16xi32>
      tpu.vector_store_idx %arg16[%add3A_1237], %scan3A_1212#3 : memref<2560xf32, #tpu.memory_space<vmem>>[vector<16xi32>], vector<16xf32>,
      %mul3A_1238 = arith.constant 5 : i32
      %mul3A_1239 = vector.broadcast %mul3A_1238 : i32 to vector<16xi32>
      %mul3A_1240 = arith.muli %add3A_1147, %mul3A_1239 : vector<16xi32>
      %add3A_1241 = arith.constant 4 : i32
      %add3A_1242 = vector.broadcast %add3A_1241 : i32 to vector<16xi32>
      %add3A_1243 = arith.addi %mul3A_1240, %add3A_1242 : vector<16xi32>
      tpu.vector_store_idx %arg16[%add3A_1243], %scan3A_1212#4 : memref<2560xf32, #tpu.memory_space<vmem>>[vector<16xi32>], vector<16xf32>,
      %scan3A_1244 = arith.constant 0 : i32
      scf.yield %scan3A_1244 : i32
    }
    %scan3A_1137 = arith.constant 32 : i32
    %mul3A_1138 = arith.constant 512 : i32
    %mul3A_1139 = arith.muli %add3A, %mul3A_1138 : i32
    %mul3A_1140 = arith.constant 5 : i32
    %mul3A_1141 = arith.muli %mul3A_1139, %mul3A_1140 : i32
    "tpu.region"() ({
      %run_scoped3A = tpu.sem_alloc : memref<!tpu.dma_semaphore, #tpu.memory_space<semaphore_mem>>
      %dma_start3A_1142 = tpu.memref_slice %arg9[%mul3A_1141] : memref<81920xf32, #tpu.memory_space<hbm>> -> memref<2560xf32, #tpu.memory_space<hbm>>
      %dma_start3A_1143 = tpu.memref_slice %arg9[%mul3A_1141] : memref<81920xf32, #tpu.memory_space<hbm>> -> memref<2560xf32, #tpu.memory_space<hbm>>
      tpu.enqueue_dma source(%arg16 : memref<2560xf32, #tpu.memory_space<vmem>>) target(%dma_start3A_1143 : memref<2560xf32, #tpu.memory_space<hbm>>) target_semaphore(%run_scoped3A : memref<!tpu.dma_semaphore, #tpu.memory_space<semaphore_mem>>)
      %dma_wait3A_1144 = tpu.memref_slice %arg9[%mul3A_1141] : memref<81920xf32, #tpu.memory_space<hbm>> -> memref<2560xf32, #tpu.memory_space<hbm>>
      %dma_wait3A_1145 = tpu.memref_slice %arg9[%mul3A_1141] : memref<81920xf32, #tpu.memory_space<hbm>> -> memref<2560xf32, #tpu.memory_space<hbm>>
      tpu.wait_dma2 semaphore(%run_scoped3A : memref<!tpu.dma_semaphore, #tpu.memory_space<semaphore_mem>>) src(%arg16 : memref<2560xf32, #tpu.memory_space<vmem>>) dst(%dma_wait3A_1145 : memref<2560xf32, #tpu.memory_space<hbm>>)
      tpu.yield
    }) : () -> ()
    return
  }
}

</mosaic_0001>

<sc_bundles>
// kernel: kernel.3.cloned.1.call-start
scs
__scs_entry_jumppad:
0x0: {  	(pc) =	sbr.rel $0x88, $3  }
0x1: {  	(tag) =	ssettag $0x0;
	lr =	simm.s32 $0x1  }
0x2: {  	[smem:$0x3F9B] =	sst lr;
	_ =	strace $0xD0000000  }
0x3: {  	_ = 	snop  }
0x4: {  	_ = 	snop  }
0x5: {  	_ = 	snop  }
0x6: {  	_ = 	snop  }
0x7: {  	_ = 	snop  }
__scs_overlays_trampoline_lowered:
0x8: {  	[smem:$0x3FAA] =	sst s0  }
0x9: {  	[smem:$0x3FAB] =	sst s1  }
0xa: {  	[smem:$0x3FAC] =	sst s2  }
0xb: {  	[smem:$0x3FAD] =	sst s3  }
0xc: {  	[smem:$0x3FAE] =	sst s4  }
0xd: {  	[smem:$0x3FAF] =	sst s5  }
0xe: {  	[smem:$0x3FB0] =	sst s6  }
0xf: {  	[smem:$0x3FB1] =	sst s7  }
0x10: {  	[smem:$0x3FB2] =	sst s8  }
0x11: {  	[smem:$0x3FB3] =	sst s9;
	s0 =	simm.s32 @!p0 $0x0  }
0x12: {  	s1 =	sld [smem:$0x3F99];
	s0 =	simm.s32 @p0 $0x1  }
0x13: {  	[smem:$0x3FB4] =	sst s0;
	s0 =	simm.s32 @!p1 $0x0  }
0x14: {  	s2 =	sld [smem:$0x3F98];
	s0 =	simm.s32 @p1 $0x1  }
0x15: {  	[smem:$0x3FB5] =	sst s0;
	s0 =	simm.s32 @!p2 $0x0  }
0x16: {  	s3 =	sld [smem:$0x3FDB];
	s0 =	simm.s32 @p2 $0x1  }
0x17: {  	s4 =	simm.s32 $0x1BF5;
	[smem:$0x3FB7] =	sst s0  }
0x18: {  	s0 =	sld [smem:$0x3F9A];
	_ =	swait.ge [sflag:s4], $0x0  }
0x19: {  	s7 =	sld [smem:$0x3F9B]  }
0x1a: {  	s8 =	sadd.s32 $0xFFFFE003, lr  }
0x1b: {  	s9 =	sadd.s32 $0xFFFFFEF7, lr;
	s5 =	simm.s32 $0xFFFFFFFF;
	p2 =	slt.u32 s8, $0xFFFFF086  }
0x1c: {  	p1 =	slt.u32 s9, $0xF7A;
	s5 =	simm.s32 @!p2 $0x0  }
0x1d: {  	s5 =	simm.s32 @p1 $0x1;
	p0 =	seq.s32 s7, s2  }
0x1e: {  	s7 =	smul.u32 @!p0 $0xF7A, s2;
	p2 =	seq.s32 @!p0 s5, $0x0  }
0x1f: {  	s9 =	smul.u32 $0xF7A, s1;
	s8 =	simm.s32 @!p0 $0x1BF5;
	p2 =	por !p2, p0  }
0x20: {  	[sflag:s8] =	ssyncset.s32 @!p0 $0xFFFFF086;
	s6 =	sadd.s32 @!p0 s3, s7;
	s7 =	simm.s32 @!p0 $0x108  }
0x21: {  	s3 =	sadd.s32 s3, s9;
	s6 =	sadd.s32 @!p0 $0x88, s6;
	s7 =	simm.s32 @p2 $0x1082  }
0x22: {  	[simem:s7], [sflag:s8] =	dma.local @!p0 [hbm:s6], $0xF7A  }
0x23: {  	s9 =	sor.u32 $0xD0000000, s2;
	s6 =	simm.s32 $0x108;
	_ =	swait.ge @!p0 [sflag:s8], $0x0  }
0x24: {  	s3 =	sadd.s32 $0x88, s3;
	s6 =	simm.s32 @!p1 $0x1082;
	[sflag:s4] =	ssyncset.s32 $0xFFFFF086  }
0x25: {  	[simem:s6], [sflag:s4] =	dma.local [hbm:s3], $0xF7A  }
0x26: {  	[smem:$0x3F9B] =	sst s1;
	(tag) =	ssettag s2;
	_ =	strace s9  }
0x27: {  	s1 =	sld [smem:$0x3FAB]  }
0x28: {  	s2 =	sld [smem:$0x3FAC]  }
0x29: {  	s4 =	sld [smem:$0x3FAE]  }
0x2a: {  	p0 =	seq.s32 s5, $0x0;
	s5 =	sld [smem:$0x3FAF]  }
0x2b: {  	s6 =	sld [smem:$0x3FB0]  }
0x2c: {  	s7 =	sld [smem:$0x3FB1]  }
0x2d: {  	s3 =	simm.s32 $0x108;
	s8 =	sld [smem:$0x3FB2]  }
0x2e: {  	s3 =	simm.s32 @!p0 $0x1082;
	s9 =	sld [smem:$0x3FB3]  }
0x2f: {  	lr =	sadd.s32 s0, s3;
	s0 =	sld [smem:$0x3FAA]  }
0x30: {  	s3 =	sld [smem:$0x3FAD]  }
0x31: {  	[smem:$0x3FB6] =	sst s10  }
0x32: {  	s10 =	sld [smem:$0x3FB4];
	_ =	sdelay $0x3  }
0x33: {  	p0 =	seq.s32 s10, $0x1;
	s10 =	sld [smem:$0x3FB6];
	_ =	sdelay $0x3  }
0x34: {  	[smem:$0x3FB6] =	sst s10  }
0x35: {  	s10 =	sld [smem:$0x3FB5];
	_ =	sdelay $0x3  }
0x36: {  	p1 =	seq.s32 s10, $0x1;
	s10 =	sld [smem:$0x3FB6];
	_ =	sdelay $0x3  }
0x37: {  	[smem:$0x3FB6] =	sst s10  }
0x38: {  	s10 =	sld [smem:$0x3FB7]  }
0x39: {  	_ = 	snop;
	(pc) =	sbr.ind lr, $3  }
0x3a: {  	_ = 	snop  }
0x3b: {  	_ = 	snop  }
0x3c: {  	p2 =	seq.s32 s10, $0x1;
	s10 =	sld [smem:$0x3FB6]  }
0x3d: {  	_ =	shalt  }
0x3e: {  	_ =	shalt  }
0x3f: {  	_ =	shalt  }
0x40: {  	_ =	shalt  }
0x41: {  	_ =	shalt  }
0x42: {  	_ =	shalt  }
0x43: {  	_ =	shalt  }
0x44: {  	_ =	shalt  }
0x45: {  	_ =	shalt  }
0x46: {  	_ =	shalt  }
0x47: {  	_ =	shalt  }
0x48: {  	_ =	shalt  }
0x49: {  	_ =	shalt  }
0x4a: {  	_ =	shalt  }
0x4b: {  	_ =	shalt  }
0x4c: {  	_ =	shalt  }
0x4d: {  	_ =	shalt  }
0x4e: {  	_ =	shalt  }
0x4f: {  	_ =	shalt  }
0x50: {  	_ =	shalt  }
0x51: {  	_ =	shalt  }
0x52: {  	_ =	shalt  }
0x53: {  	_ =	shalt  }
0x54: {  	_ =	shalt  }
0x55: {  	_ =	shalt  }
0x56: {  	_ =	shalt  }
0x57: {  	_ =	shalt  }
0x58: {  	_ =	shalt  }
0x59: {  	_ =	shalt  }
0x5a: {  	_ =	shalt  }
0x5b: {  	_ =	shalt  }
0x5c: {  	_ =	shalt  }
0x5d: {  	_ =	shalt  }
0x5e: {  	_ =	shalt  }
0x5f: {  	_ =	shalt  }
0x60: {  	_ =	shalt  }
0x61: {  	_ =	shalt  }
0x62: {  	_ =	shalt  }
0x63: {  	_ =	shalt  }
0x64: {  	_ =	shalt  }
0x65: {  	_ =	shalt  }
0x66: {  	_ =	shalt  }
0x67: {  	_ =	shalt  }
0x68: {  	_ =	shalt  }
0x69: {  	_ =	shalt  }
0x6a: {  	_ =	shalt  }
0x6b: {  	_ =	shalt  }
0x6c: {  	_ =	shalt  }
0x6d: {  	_ =	shalt  }
0x6e: {  	_ =	shalt  }
0x6f: {  	_ =	shalt  }
0x70: {  	_ =	shalt  }
0x71: {  	_ =	shalt  }
0x72: {  	_ =	shalt  }
0x73: {  	_ =	shalt  }
0x74: {  	_ =	shalt  }
0x75: {  	_ =	shalt  }
0x76: {  	_ =	shalt  }
0x77: {  	_ =	shalt  }
0x78: {  	_ =	shalt  }
0x79: {  	_ =	shalt  }
0x7a: {  	_ =	shalt  }
0x7b: {  	_ =	shalt  }
0x7c: {  	_ =	shalt  }
0x7d: {  	_ =	shalt  }
0x7e: {  	_ =	shalt  }
0x7f: {  	_ =	shalt  }
0x80: {  	_ =	shalt  }
0x81: {  	_ =	shalt  }
0x82: {  	_ =	shalt  }
0x83: {  	_ =	shalt  }
0x84: {  	_ =	shalt  }
0x85: {  	_ =	shalt  }
0x86: {  	_ =	shalt  }
0x87: {  	_ =	shalt  }
.Lfunc_end0:
.L_simem_size_0:
called_computation_lowered:
.L_overlay_start_0:
0x88: {  	s2 =	sld [smem:$0x3FD9]  }
0x89: {  	s3 =	sld [smem:$0x3FFE];
	_ =	sdelay $0x1  }
0x8a: {  	s1 =	srdreg.scid  }
0x8b: {  	s0 =	sand.u32 $0x1, s1  }
0x8c: {  	s17 =	sshll.u32 s0, $0xA;
	s2 =	sadd.s32 s3, s2  }
0x8d: {  	s2 =	sadd.s32 s2, s17  }
0x8e: {  	[smem:$0x3FC2] =	sst s2  }
0x8f: {  	_ = 	snop  }
0x90: {  	s2 =	sld [smem:$0x3FC5]  }
0x91: {  	s18 =	sld [smem:$0x3FC4]  }
0x92: {  	s4 =	sld [smem:$0x3FD0];
	(tm) =	ssettm $0x1  }
0x93: {  	s5 =	sld [smem:$0x3FFB];
	_ =	sdelay $0x3  }
0x94: {  	_ =	strace s5  }
0x95: {  	s5 =	sld [smem:$0x3FFC];
	_ =	sdelay $0x3  }
0x96: {  	_ =	strace s5  }
0x97: {  	s5 =	sld [smem:$0x3FFD];
	_ =	sdelay $0x3  }
0x98: {  	_ =	strace s5  }
0x99: {  	_ =	strace $0x8FFFFFFF  }
0x9a: {  	s19 =	sld [smem:$0x3FDB];
	_ =	sdelay $0x1  }
0x9b: {  	s6 =	simm.s32 $_scs_section_size  }
0x9c: {  	s7 =	simm.s32 $_size__tile_overlayer_lowered;
	s8 =	simm.s32 $_tile_overlayer_lowered  }
0x9d: {  	s22 =	simm.s32 $0x1BFF;
	s21 =	sshll.u32 s8, $0x1;
	s5 =	sadd.s32 s6, s19  }
0x9e: {  	s9 =	simm.s32 $0x0;
	s20 =	sshll.u32 s7, $0x1;
	s7 =	sadd.s32 s21, s5  }
0x9f: {  	[timem:s9], [sflag:s22] =	dma.local [hbm:s7], s20  }
0xa0: {  	_ =	swait.ge [sflag:s22], s20  }
0xa1: {  	s6 =	ssub.s32 $0x0, s20;
	[sflag:s22] =	ssyncset.done $0x0  }
0xa2: {  	[sflag:s22] =	ssyncadd.s32 s6;
	_ =	sdelay $0x1  }
0xa3: {  	s23 =	simm.s32 $0x1B8B  }
0xa4: {  	_ =	swait.ge [sflag:s23], $0x1  }
0xa5: {  	[sflag:s23] =	ssyncset.done $0x0  }
0xa6: {  	s25 =	simm.s32 $0x1B8E;
	s24 =	sld [smem:$0x3FFE];
	[sflag:s23] =	ssyncadd.s32 $0xFFFFFFFF  }
0xa7: {  	s26 =	simm.s32 $execute0_lowered;
	[smem:$0x3FD2] =	sst s25  }
0xa8: {  	s7 =	sshll.u32 s26, $0x1;
	_ =	strace $0x80000046;
	[dreg:$0x1] =	wrdreg $0xFFFFFFFF  }
0xa9: {  	s28 =	simm.s32 $_size_execute0_lowered;
	s5 =	sadd.s32 s5, s7;
	[dreg:$0x0] =	wrdreg $0x0  }
0xaa: {  	s7 =	sshll.u32 s28, $0x1;
	[dreg:$0x2] =	wrdreg s5  }
0xab: {  	[dreg:$0x3] =	wrdreg s7  }
0xac: {  	[dreg:$0x4] =	wrdreg $0xC0  }
0xad: {  	_ =	task [dreg:s9], $0x5FFFF  }
0xae: {  	[dreg:$0x1] =	wrdreg $0xFFFFFFFF  }
0xaf: {  	[dreg:$0x0] =	wrdreg $0x60  }
0xb0: {  	[dreg:$0x2] =	wrdreg s24  }
0xb1: {  	[dreg:$0x3] =	wrdreg s2  }
0xb2: {  	[dreg:$0x4] =	wrdreg s18  }
0xb3: {  	[dreg:$0x5] =	wrdreg s4  }
0xb4: {  	[dreg:$0x6] =	wrdreg $0x1C6800  }
0xb5: {  	[dreg:$0x7] =	wrdreg $0x1D6800  }
0xb6: {  	[dreg:$0x8] =	wrdreg $0x9  }
0xb7: {  	_ =	task.clear_ibuf [dreg:s9], $0x9FFFF;
	_ =	strace $0x90000046  }
0xb8: {  	s29 =	simm.s32 $0x9;
	_ =	strace $0x80000048  }
0xb9: {  	_ =	swait.ge [sflag:s29], $0x1  }
0xba: {  	[sflag:s29] =	ssyncadd.s32 $0xFFFFFFFF  }
0xbb: {  	_ =	strace $0x90000048  }
0xbc: {  	_ =	sfence  }
0xbd: {  	s30 =	sld [smem:$0x0];
	_ =	sdelay $0x2  }
0xbe: {  	s31 =	sshll.u32 s1, $0xD;
	s1 =	sshrl.u32 s1, $0x2  }
0xbf: {  	s3 =	sand.u32 $0x4000, s31;
	s1 =	sadd.s32 s1, s30  }
0xc0: {  	s0 =	sor.u32 s3, s0;
	s1 =	sshll.u32 s1, $0x11  }
0xc1: {  	s0 =	sor.u32 s1, s0  }
0xc2: {  	s0 =	sadd.s32 $0x8F2B, s0  }
0xc3: {  	[sflag:s0] =	ssyncadd.remote.s32 $0x1  }
0xc4: {  	_ =	sfence.sel $0xFFFF  }
0xc5: {  	[dreg:$0x0] =	wrdreg $0xFFFFFFFF;
	(pc) =	sbr.abs _section_cstart, $3  }
0xc6: {  	[dreg:$0x1] =	wrdreg $0xFFFFFFFF  }
0xc7: {  	_ =	task.clear_ibuf [dreg:s9], $0x2FFFF;
	_ =	strace $0x9FFFFFFF  }
0xc8: {  	(tm) =	ssettm $0x7FFFFFFF  }
0xc9: {  	_ =	shalt  }
tec
execute0_lowered:
.L_overlay_start_1:
0x0: {  	(tag) =	ssettag $0x1  }
0x1: {  	v0 =	vlaneseq.u32  }
0x2: {  	v2 =	vimm.s32 $0x52FD6;
	v1 =	vand.u32 $0x1, v0  }
0x3: {  	vm0 =	vcmask $0x300;
	vm3 =	vcmask $0x704;
	v1 =	vmul.u32 $0xFFFF51FA, v1  }
0x4: {  	s6 =	stileid.u32;
	vm2 =	vcmask $0xB08;
	vm15 =	vcmask $0xF0C;
	vm4 =	vcmask $0x1310  }
0x5: {  	vm9 =	vcmask $0x1714;
	s7 =	sshll.u32 s6, $0x6;
	v2 =	vsel vm0, $0x3F5, v2;
	v1 =	vadd.s32 $0x16A95, v1  }
0x6: {  	vm6 =	vcmask $0x1B18;
	v4 =	vmul.u32 s7, v1;
	v1 =	vsel vm3, $0x7ED, v2  }
0x7: {  	vm11 =	vcmask $0x1F1C;
	v2 =	vimm.s32 $0xB144E;
	v1 =	vsel vm2, $0x16E8A, v1  }
0x8: {  	vm8 =	vcmask $0x2320;
	v2 =	vsel vm0, $0xB589D, v2;
	v1 =	vsel vm15, $0xC47C, v1  }
0x9: {  	vm13 =	vcmask $0x2724;
	v2 =	vsel vm3, $0x5EC65, v2;
	v1 =	vsel vm4, $0x2D91F, v1  }
0xa: {  	vm10 =	vcmask $0x2B28;
	v2 =	vsel vm2, $0xCC332, v2;
	v1 =	vsel vm9, $0x1810B, v1  }
0xb: {  	vm5 =	vcmask $0x2F2C;
	v2 =	vsel vm15, $0x6A8F4, v2;
	v1 =	vsel vm6, $0x443B4, v1  }
0xc: {  	vm12 =	vcmask $0x3330;
	v2 =	vsel vm4, $0xE2DC7, v2;
	v1 =	vsel vm11, $0x23D9A, v1  }
0xd: {  	vm1 =	vcmask $0x3734;
	v2 =	vsel vm9, $0x76583, v2;
	v1 =	vsel vm8, $0x5AE49, v1  }
0xe: {  	vm14 =	vcmask $0x3B38;
	v2 =	vsel vm6, $0xF985C, v2;
	v1 =	vsel vm13, $0x2FA29, v1  }
0xf: {  	v5 =	vimm.s32 $0x10F8C6;
	v2 =	vsel vm11, $0x82212, v2;
	v1 =	vsel vm10, $0x718DE, v1  }
0x10: {  	v7 =	vimm.s32 $0x1CC1B6;
	v2 =	vsel vm8, $0x1102F1, v2;
	v1 =	vsel vm5, $0x3B6B8, v1  }
0x11: {  	v11 =	vimm.s32 $0x288AA6;
	v2 =	vsel vm13, $0x8DEA1, v2;
	v1 =	vsel vm12, $0x88373, v1  }
0x12: {  	v12 =	vimm.s32 $0x2E6F1E;
	v2 =	vsel vm10, $0x126D86, v2;
	v1 =	vsel vm1, $0x47347, v1  }
0x13: {  	v5 =	vsel vm0, $0x16AD45, v5;
	v2 =	vsel vm5, $0x99B30, v2;
	v1 =	vsel vm14, $0x9EE08, v1  }
0x14: {  	v7 =	vsel vm0, $0x2D5695, v7;
	v2 =	vsel vm12, $0x13D81B, v2;
	v1 =	vadd.s32 v1, v4  }
0x15: {  	v11 =	vsel vm0, $0x43FFE5, v11;
	v2 =	vsel vm1, $0xA57BF, v2;
	v3 =	vmulhi.u32 $0xA7C5AC5, v1  }
0x16: {  	v12 =	vsel vm0, $0x4F548D, v12;
	vm7 =	vmmov vm9;
	v2 =	vsel vm14, $0x1542B0, v2  }
0x17: {  	v5 =	vsel vm3, $0xBD0DD, v5;
	v2 =	vadd.s32 v2, v4;
	v3 =	vshrl.u32 v3, $0xC  }
0x18: {  	v5 =	vsel vm2, $0x1817DA, v5;
	v6 =	vmulhi.u32 $0xA7C5AC5, v2;
	v3 =	vmul.u32 $0x186A0, v3  }
0x19: {  	v7 =	vsel vm3, $0x1799CD, v7;
	v11 =	vsel vm3, $0x2362BD, v11;
	v5 =	vsel vm15, $0xC8D6C, v5  }
0x1a: {  	v1 =	vsub.s32 v1, v3;
	v3 =	vshrl.u32 v6, $0xC;
	v6 =	vimm.s32 $0x16DD3E  }
0x1b: {  	v12 =	vsel vm3, $0x294735, v12;
	v5 =	vsel vm4, $0x19826F, v5;
	v6 =	vsel vm0, $0x2201ED, v6  }
0x1c: {  	v7 =	vsel vm2, $0x2EC12A, v7;
	v5 =	vsel vm9, $0xD49FB, v5;
	v6 =	vsel vm3, $0x11B555, v6  }
0x1d: {  	v11 =	vsel vm2, $0x456A7A, v11;
	v5 =	vsel vm6, $0x1AED04, v5;
	v6 =	vsel vm2, $0x236C82, v6  }
0x1e: {  	v7 =	vsel vm15, $0x18565C, v7;
	v5 =	vsel vm11, $0xE068A, v5;
	v6 =	vsel vm15, $0x1271E4, v6  }
0x1f: {  	v7 =	vsel vm4, $0x302BBF, v7;
	v5 =	vsel vm8, $0x1C5799, v5;
	v6 =	vsel vm4, $0x24D717, v6  }
0x20: {  	v7 =	vsel vm9, $0x1912EB, v7;
	v5 =	vsel vm13, $0xEC319, v5;
	v6 =	vsel vm9, $0x132E73, v6  }
0x21: {  	v7 =	vsel vm6, $0x319654, v7;
	v5 =	vsel vm10, $0x1DC22E, v5;
	v6 =	vsel vm6, $0x2641AC, v6  }
0x22: {  	v7 =	vsel vm11, $0x19CF7A, v7;
	v5 =	vsel vm5, $0xF7FA8, v5;
	v6 =	vsel vm11, $0x13EB02, v6  }
0x23: {  	v7 =	vsel vm8, $0x3300E9, v7;
	v5 =	vsel vm12, $0x1F2CC3, v5;
	v6 =	vsel vm8, $0x27AC41, v6  }
0x24: {  	v7 =	vsel vm13, $0x1A8C09, v7;
	v5 =	vsel vm1, $0x103C37, v5;
	v6 =	vsel vm13, $0x14A791, v6  }
0x25: {  	v7 =	vsel vm10, $0x346B7E, v7;
	v5 =	vsel vm14, $0x209758, v5;
	v6 =	vsel vm10, $0x2916D6, v6  }
0x26: {  	v5 =	vadd.s32 v5, v4;
	v3 =	vmul.u32 $0x186A0, v3;
	v6 =	vsel vm5, $0x156420, v6  }
0x27: {  	v7 =	vsel vm5, $0x1B4898, v7;
	v8 =	vmulhi.u32 $0xA7C5AC5, v5;
	v6 =	vsel vm12, $0x2A816B, v6  }
0x28: {  	v2 =	vsub.s32 v2, v3;
	v3 =	vsel vm1, $0x1620AF, v6;
	v6 =	vsel vm12, $0x35D613, v7  }
0x29: {  	v12 =	vsel vm2, $0x50BF22, v12;
	v3 =	vsel vm14, $0x2BEC00, v3;
	v6 =	vsel vm1, $0x1C0527, v6  }
0x2a: {  	v7 =	vshrl.u32 v8, $0xC;
	v8 =	vadd.s32 v3, v4;
	v3 =	vsel vm14, $0x3740A8, v6  }
0x2b: {  	v11 =	vsel vm15, $0x241F4C, v11;
	v9 =	vadd.s32 v3, v4;
	v3 =	vimm.s32 $0x22A62E  }
0x2c: {  	v12 =	vsel vm15, $0x2A03C4, v12;
	v11 =	vsel vm4, $0x46D50F, v11;
	v3 =	vsel vm0, $0x38AB3D, v3  }
0x2d: {  	v12 =	vsel vm4, $0x5229B7, v12;
	v11 =	vsel vm9, $0x24DBDB, v11;
	v3 =	vsel vm3, $0x1D7E45, v3  }
0x2e: {  	v12 =	vsel vm9, $0x2AC053, v12;
	v11 =	vsel vm6, $0x483FA4, v11;
	v3 =	vsel vm2, $0x3A15D2, v3  }
0x2f: {  	v12 =	vsel vm6, $0x53944C, v12;
	v11 =	vsel vm11, $0x25986A, v11;
	v3 =	vsel vm15, $0x1E3AD4, v3  }
0x30: {  	s0 =	rddreg [dreg:$0x0];
	v12 =	vsel vm11, $0x2B7CE2, v12;
	v11 =	vsel vm8, $0x49AA39, v11;
	v3 =	vsel vm4, $0x3B8067, v3  }
0x31: {  	s11 =	rddreg [dreg:$0x1];
	v12 =	vsel vm8, $0x54FEE1, v12;
	v11 =	vsel vm13, $0x2654F9, v11;
	v3 =	vsel vm9, $0x1EF763, v3  }
0x32: {  	s12 =	rddreg [dreg:$0x2];
	v12 =	vsel vm13, $0x2C3971, v12;
	v11 =	vsel vm10, $0x4B14CE, v11;
	v3 =	vsel vm6, $0x3CEAFC, v3  }
0x33: {  	s14 =	rddreg [dreg:$0x3];
	v12 =	vsel vm10, $0x566976, v12;
	vm5 =	vmmov vm15;
	v3 =	vsel vm11, $0x1FB3F2, v3  }
0x34: {  	s8 =	rddreg [dreg:$0x4];
	s4 =	simm.s32 $0x0;
	s20 =	simm.s32 $0x1C480;
	v7 =	vmul.u32 $0x186A0, v7;
	v6 =	vmulhi.u32 $0xA7C5AC5, v8;
	v3 =	vsel vm8, $0x3E5591, v3  }
0x35: {  	[smem:$0x7FF] =	sst s4;
	v10 =	vmulhi.u32 $0xA7C5AC5, v9;
	vm3 =	vcmask $0x2F2C;
	v3 =	vsel vm13, $0x207081, v3  }
0x36: {  	s1 =	sadd.s32 $0x187800, s0;
	s3 =	sadd.s32 $0x1200, s0;
	s25 =	sshll.u32 s6, $0xC;
	vm15 =	vmmov $0xff;
	vm9 =	vmmov vm11;
	v3 =	vsel vm10, $0x3FC026, v3  }
0x37: {  	s9 =	rddreg [dreg:$0x5];
	s21 =	srdreg.scid;
	_ =	strace $0x80000047;
	vm11 =	vmmov vm13;
	v3 =	vsel vm3, $0x212D10, v3;
	vm3 =	vcmask $0x2F2C  }
0x38: {  	[dreg:$0x8] =	wrdreg s3;
	s3 =	sadd.s32 s25, s9;
	s9 =	simm.s32 $0x1A000;
	v3 =	vsel vm12, $0x412ABB, v3;
	v11 =	vsel vm3, $0x271188, v11;
	vm13 =	vmmov vm3  }
0x39: {  	[dreg:$0x7] =	wrdreg s1;
	s1 =	sand.u32 $0x1, s21;
	v12 =	vsel vm3, $0x2CF600, v12;
	v3 =	vsel vm1, $0x21E99F, v3;
	v11 =	vsel vm12, $0x4C7F63, v11  }
0x3a: {  	s10 =	simm.s32 $0x2;
	s5 =	sadd.s32 s7, s0;
	s2 =	sshll.u32 s1, $0x4;
	v12 =	vsel vm12, $0x57D40B, v12;
	v3 =	vsel vm14, $0x429550, v3;
	v11 =	vsel vm1, $0x27CE17, v11  }
0x3b: {  	s1 =	ssub.s32 $0x2, s1;
	s24 =	sadd.s32 $0xE00, s5;
	[dreg:$0xc] =	wrdreg s3;
	v13 =	vadd.s32 v3, v4;
	v3 =	vsel vm14, $0x4DE9F8, v11;
	v11 =	vsel vm1, $0x2DB28F, v12  }
0x3c: {  	s5 =	sadd.s32 $0xC4800, s5;
	s2 =	sor.u32 s6, s2;
	[dreg:$0x9] =	wrdreg s24;
	v62 =	vmulhi.u32 $0xA7C5AC5, v13;
	v14 =	vadd.s32 v3, v4;
	v11 =	vsel vm14, $0x593EA0, v11  }
0x3d: {  	s23 =	sshrl.u32 s1, $0x1;
	s6 =	sadd.s32 s25, s8;
	[dreg:$0xb] =	wrdreg s5;
	v3 =	vsub.s32 v5, v7;
	v5 =	vmulhi.u32 $0xA7C5AC5, v14;
	v11 =	vadd.s32 v11, v4  }
0x3e: {  	s5 =	simm.s32 $0x80;
	s22 =	sshll.u32 s2, $0x8;
	s26 =	sshll.u32 s2, $0x6;
	vm3 =	vmmov vm1;
	v4 =	vshrl.u32 v6, $0xC;
	v7 =	vmulhi.u32 $0xA7C5AC5, v11  }
0x3f: {  	s1 =	ssub.s32 s1, s23;
	[dreg:$0xa] =	wrdreg s6;
	s28 =	sadd.s32 s11, s26;
	v6 =	vshrl.u32 v10, $0xC;
	v4 =	vmul.u32 $0x186A0, v4;
	v10 =	vshrl.u32 v62, $0xC  }
0x40: {  	s2 =	smul.u32 $0x140, s2;
	s29 =	sadd.s32 s12, s26;
	[dreg:$0xd] =	wrdreg s28;
	v6 =	vmul.u32 $0x186A0, v6;
	v10 =	vmul.u32 $0x186A0, v10;
	v7 =	vshrl.u32 v7, $0xC  }
0x41: {  	s0 =	sadd.s32 s22, s0;
	s31 =	smax.u32 s1, $0x1;
	[dreg:$0xe] =	wrdreg s29;
	v5 =	vshrl.u32 v5, $0xC;
	v15 =	vmul.u32 $0x186A0, v7;
	v7 =	vimm.s32 $0xECA86420  }
0x42: {  	s8 =	simm.s32 $0x1;
	s0 =	sadd.s32 $0xC4C00, s0;
	[dreg:$0x11] =	wrdreg s31;
	v63 =	vmul.u32 $0x186A0, v5;
	v5 =	vsub.s32 v9, v6;
	v9 =	vunpack.c.l.s4.s8 v7  }
0x43: {  	s6 =	simm.s32 $0x1C400;
	s30 =	sadd.s32 s14, s2;
	[dreg:$0xf] =	wrdreg s0;
	v4 =	vsub.s32 v8, v4;
	v6 =	vsub.s32 v13, v10;
	v10 =	vmul.u32 $0x2, v0  }
0x44: {  	s7 =	simm.s32 $0x18000;
	s1 =	simm.s32 $0x0;
	[dreg:$0x10] =	wrdreg s30;
	v7 =	vsub.s32 v14, v63;
	v8 =	vsub.s32 v11, v15;
	v9 =	vunpack.c.0.s8.s32 v9  }
.LBB2_1:
0x45: {  	[tilespmem:$0x1C400] =	vst v1  }
0x46: {  	[tilespmem:$0x1C410] =	vst v2  }
0x47: {  	[tilespmem:$0x1C420] =	vst v3  }
0x48: {  	[tilespmem:$0x1C430] =	vst v4  }
0x49: {  	[tilespmem:$0x1C440] =	vst v5  }
0x4a: {  	[tilespmem:$0x1C450] =	vst v6  }
0x4b: {  	[dreg:$0x12] =	wrdreg s1;
	[tilespmem:$0x1C460] =	vst v7  }
0x4c: {  	[tilespmem:$0x1C470] =	vst v8;
	s0 =	rddreg [dreg:$0x7]  }
0x4d: {  	[tilespmem:s7], [sflag:$0x1] =	stream.indirect.gather [hbm4b:s0+s5], $0x40, s6, s5, $0xb8;
	[tilespmem:$0x1E680] =	vst v63  }
0x4e: {  	_ =	swait.ge [sflag:s8], $0x2000  }
0x4f: {  	[sflag:s8] =	ssyncset.done $0x0  }
0x50: {  	s30 =	simm.s32 $0x0;
	s31 =	rddreg [dreg:$0x9];
	[sflag:s8] =	ssyncadd.s32 $0xFFFFE000  }
0x51: {  	v11 =	vmov s30;
	[tilespmem:s20], [sflag:$0x2] =	stream.linear.gather [hbm4b:s31+s4], $0x200, $0x38;
	[tilespmem:$0x1E680] =	vst v63  }
0x52: {  	v12 =	vor.u32 $0x1, v11;
	_ =	swait.ge [sflag:s10], $0x200  }
0x53: {  	[sflag:s10] =	ssyncset.done $0x0  }
0x54: {  	s29 =	simm.s32 $0x18040;
	[sflag:s10] =	ssyncadd.s32 $0xFFFFFE00  }
0x55: {  	v13 =	vld [tilespmem:s29+$0x0]  }
0x56: {  	v11 =	vld.idx.msk [tilespmem:v11+s20+$0x0], $0xffff  }
0x57: {  	v12 =	vld.idx.msk [tilespmem:v12+s20+$0x0], $0xffff  }
0x58: {  	v14 =	vld [tilespmem:s29+$0xFFFFFFC0];
	_ =	sdelay $0x4  }
0x59: {  	v14 =	vmul.f32 v14, v11;
	v13 =	vmul.f32 v13, v12;
	_ =	sdelay $0x1  }
0x5a: {  	v13 =	vadd.f32 v13, v14  }
0x5b: {  	s28 =	simm.s32 $0x1A020  }
0x5c: {  	[tilespmem:s28+$0xFFFFFFE0] =	vst v13  }
0x5d: {  	v13 =	vld [tilespmem:s29+$0xFFFFFFD0]  }
0x5e: {  	v14 =	vld [tilespmem:s29+$0x10];
	_ =	sdelay $0x4  }
0x5f: {  	v13 =	vmul.f32 v13, v11;
	v14 =	vmul.f32 v14, v12;
	_ =	sdelay $0x1  }
0x60: {  	v13 =	vadd.f32 v14, v13;
	_ =	sdelay $0x1  }
0x61: {  	[tilespmem:s28+$0xFFFFFFF0] =	vst v13  }
0x62: {  	v13 =	vld [tilespmem:s29+$0xFFFFFFE0]  }
0x63: {  	v14 =	vld [tilespmem:s29+$0x20];
	_ =	sdelay $0x4  }
0x64: {  	v13 =	vmul.f32 v13, v11;
	v14 =	vmul.f32 v14, v12;
	_ =	sdelay $0x1  }
0x65: {  	v13 =	vadd.f32 v14, v13;
	_ =	sdelay $0x1  }
0x66: {  	[tilespmem:s28+$0x0] =	vst v13  }
0x67: {  	v13 =	vld [tilespmem:s29+$0xFFFFFFF0]  }
0x68: {  	v14 =	vld [tilespmem:s29+$0x30];
	_ =	sdelay $0x4  }
0x69: {  	s3 =	simm.s32 $0x2;
	s2 =	simm.s32 $0x8;
	s0 =	simm.s32 $0x1A020;
	v11 =	vmul.f32 v13, v11;
	v12 =	vmul.f32 v14, v12  }
.LBB2_2:
0x6a: {  	s28 =	sadd.s32 $0x40, s28  }
0x6b: {  	v13 =	vmov s2;
	s29 =	sadd.s32 $0x80, s29;
	s2 =	smov.u32 s3;
	s1 =	sadd.s32 $0x1, s3  }
0x6c: {  	p0 =	sne.s32 s3, $0x3F;
	v14 =	vor.u32 $0x1, v13;
	v11 =	vadd.f32 v12, v11;
	_ =	sdelay $0x1  }
0x6d: {  	[tilespmem:s0+$0x10] =	vst v11;
	s0 =	smov.u32 s28  }
0x6e: {  	v11 =	vld [tilespmem:s29+$0x0]  }
0x6f: {  	v12 =	vld.idx.msk [tilespmem:v13+s20+$0x0], $0xffff  }
0x70: {  	v13 =	vld.idx.msk [tilespmem:v14+s20+$0x0], $0xffff  }
0x71: {  	v14 =	vld [tilespmem:s29+$0xFFFFFFC0];
	_ =	sdelay $0x4  }
0x72: {  	v11 =	vmul.f32 v11, v13;
	v14 =	vmul.f32 v14, v12;
	_ =	sdelay $0x1  }
0x73: {  	v11 =	vadd.f32 v11, v14;
	_ =	sdelay $0x1  }
0x74: {  	[tilespmem:s28+$0xFFFFFFE0] =	vst v11  }
0x75: {  	v11 =	vld [tilespmem:s29+$0xFFFFFFD0]  }
0x76: {  	v14 =	vld [tilespmem:s29+$0x10];
	_ =	sdelay $0x3  }
0x77: {  	v11 =	vmul.f32 v11, v12  }
0x78: {  	v14 =	vmul.f32 v14, v13;
	_ =	sdelay $0x1  }
0x79: {  	v11 =	vadd.f32 v14, v11;
	_ =	sdelay $0x1  }
0x7a: {  	[tilespmem:s28+$0xFFFFFFF0] =	vst v11  }
0x7b: {  	v11 =	vld [tilespmem:s29+$0xFFFFFFE0]  }
0x7c: {  	v14 =	vld [tilespmem:s29+$0x20];
	_ =	sdelay $0x3  }
0x7d: {  	v11 =	vmul.f32 v11, v12  }
0x7e: {  	v14 =	vmul.f32 v14, v13;
	_ =	sdelay $0x1  }
0x7f: {  	v11 =	vadd.f32 v14, v11;
	_ =	sdelay $0x1  }
0x80: {  	[tilespmem:s28+$0x0] =	vst v11  }
0x81: {  	v11 =	vld [tilespmem:s29+$0xFFFFFFF0]  }
0x82: {  	v14 =	vld [tilespmem:s29+$0x30]  }
.Ltmp0:
0x83: {  	(pc) =	sbr.rel @p0 .LBB2_2-.Ltmp0, $3  }
0x84: {  	_ =	sdelay $0x1  }
0x85: {  	v11 =	vmul.f32 v11, v12  }
0x86: {  	s2 =	sshll.u32 s2, $0x3;
	s3 =	smov.u32 s1;
	v12 =	vmul.f32 v14, v13  }
0x87: {  	v13 =	vmov s2  }
0x88: {  	v14 =	vor.u32 $0x1, v13;
	v11 =	vadd.f32 v12, v11;
	_ =	sdelay $0x1  }
0x89: {  	s1 =	sadd.s32 $0x80, s29;
	[tilespmem:s0+$0x10] =	vst v11  }
0x8a: {  	v11 =	vld [tilespmem:s1+$0x0]  }
0x8b: {  	v12 =	vld.idx.msk [tilespmem:v13+s20+$0x0], $0xffff  }
0x8c: {  	v13 =	vld.idx.msk [tilespmem:v14+s20+$0x0], $0xffff  }
0x8d: {  	v14 =	vld [tilespmem:s1+$0xFFFFFFC0];
	_ =	sdelay $0x4  }
0x8e: {  	v14 =	vmul.f32 v14, v12;
	v11 =	vmul.f32 v11, v13;
	_ =	sdelay $0x1  }
0x8f: {  	v11 =	vadd.f32 v11, v14  }
0x90: {  	s23 =	sadd.s32 $0x40, s28  }
0x91: {  	[tilespmem:s23+$0xFFFFFFE0] =	vst v11  }
0x92: {  	v11 =	vld [tilespmem:s1+$0xFFFFFFD0]  }
0x93: {  	v14 =	vld [tilespmem:s1+$0x10];
	_ =	sdelay $0x4  }
0x94: {  	v11 =	vmul.f32 v11, v12;
	v14 =	vmul.f32 v14, v13;
	_ =	sdelay $0x1  }
0x95: {  	v11 =	vadd.f32 v14, v11;
	_ =	sdelay $0x1  }
0x96: {  	[tilespmem:s23+$0xFFFFFFF0] =	vst v11  }
0x97: {  	v11 =	vld [tilespmem:s1+$0xFFFFFFE0]  }
0x98: {  	v14 =	vld [tilespmem:s1+$0x20];
	_ =	sdelay $0x4  }
0x99: {  	v11 =	vmul.f32 v11, v12;
	v14 =	vmul.f32 v14, v13;
	_ =	sdelay $0x1  }
0x9a: {  	v11 =	vadd.f32 v14, v11;
	_ =	sdelay $0x1  }
0x9b: {  	[tilespmem:s23+$0x0] =	vst v11  }
0x9c: {  	v11 =	vld [tilespmem:s1+$0xFFFFFFF0]  }
0x9d: {  	v14 =	vld [tilespmem:s1+$0x30];
	_ =	sdelay $0x4  }
0x9e: {  	v11 =	vmul.f32 v11, v12;
	v12 =	vmul.f32 v14, v13;
	_ =	sdelay $0x1  }
0x9f: {  	v11 =	vadd.f32 v12, v11;
	_ =	sdelay $0x1  }
0xa0: {  	s24 =	rddreg [dreg:$0xa];
	[tilespmem:s23+$0x10] =	vst v11  }
0xa1: {  	[spmem:s24] =	stream.linear.scatter [tilespmem:s9], [sflag:$0x2], $0x1000, $0x38;
	[tilespmem:$0x1E680] =	vst v63  }
0xa2: {  	_ =	swait.ge [sflag:s10], $0x1000  }
0xa3: {  	[sflag:s10] =	ssyncset.done $0x0  }
0xa4: {  	[sflag:s10] =	ssyncadd.s32 $0xFFFFF000  }
0xa5: {  	[tilespmem:$0x1C400] =	vst v1  }
0xa6: {  	[tilespmem:$0x1C410] =	vst v2  }
0xa7: {  	[tilespmem:$0x1C420] =	vst v3  }
0xa8: {  	[tilespmem:$0x1C430] =	vst v4  }
0xa9: {  	[tilespmem:$0x1C440] =	vst v5  }
0xaa: {  	[tilespmem:$0x1C450] =	vst v6  }
0xab: {  	[tilespmem:$0x1C460] =	vst v7  }
0xac: {  	s25 =	rddreg [dreg:$0x8];
	[tilespmem:$0x1C470] =	vst v8  }
0xad: {  	[tilespmem:s7], [sflag:$0x1] =	stream.indirect.gather [hbm4b:s25+s5], $0x40, s6, s5, $0xb8;
	[tilespmem:$0x1E680] =	vst v63  }
0xae: {  	_ =	swait.ge [sflag:s8], $0x2000  }
0xaf: {  	s26 =	simm.s32 $0x0;
	[sflag:s8] =	ssyncset.done $0x0  }
0xb0: {  	s30 =	simm.s32 $0x0;
	s31 =	rddreg [dreg:$0xb];
	[sflag:s8] =	ssyncadd.s32 $0xFFFFE000  }
0xb1: {  	v11 =	vmov s30;
	[tilespmem:s20], [sflag:$0x2] =	stream.linear.gather [hbm4b:s31+s26], $0x200, $0x38;
	[tilespmem:$0x1E680] =	vst v63  }
0xb2: {  	v12 =	vor.u32 $0x1, v11;
	_ =	swait.ge [sflag:s10], $0x200  }
0xb3: {  	[sflag:s10] =	ssyncset.done $0x0  }
0xb4: {  	s29 =	simm.s32 $0x18040;
	[sflag:s10] =	ssyncadd.s32 $0xFFFFFE00  }
0xb5: {  	v13 =	vld [tilespmem:s29+$0x0]  }
0xb6: {  	v11 =	vld.idx.msk [tilespmem:v11+s20+$0x0], $0xffff  }
0xb7: {  	v12 =	vld.idx.msk [tilespmem:v12+s20+$0x0], $0xffff  }
0xb8: {  	v14 =	vld [tilespmem:s29+$0xFFFFFFC0];
	_ =	sdelay $0x4  }
0xb9: {  	v14 =	vmul.f32 v14, v11;
	v13 =	vmul.f32 v13, v12;
	_ =	sdelay $0x1  }
0xba: {  	v13 =	vadd.f32 v13, v14  }
0xbb: {  	s28 =	simm.s32 $0x1A020  }
0xbc: {  	[tilespmem:s28+$0xFFFFFFE0] =	vst v13  }
0xbd: {  	v13 =	vld [tilespmem:s29+$0xFFFFFFD0]  }
0xbe: {  	v14 =	vld [tilespmem:s29+$0x10];
	_ =	sdelay $0x4  }
0xbf: {  	v13 =	vmul.f32 v13, v11;
	v14 =	vmul.f32 v14, v12;
	_ =	sdelay $0x1  }
0xc0: {  	v13 =	vadd.f32 v14, v13;
	_ =	sdelay $0x1  }
0xc1: {  	[tilespmem:s28+$0xFFFFFFF0] =	vst v13  }
0xc2: {  	v13 =	vld [tilespmem:s29+$0xFFFFFFE0]  }
0xc3: {  	v14 =	vld [tilespmem:s29+$0x20];
	_ =	sdelay $0x4  }
0xc4: {  	v13 =	vmul.f32 v13, v11;
	v14 =	vmul.f32 v14, v12;
	_ =	sdelay $0x1  }
0xc5: {  	v13 =	vadd.f32 v14, v13;
	_ =	sdelay $0x1  }
0xc6: {  	[tilespmem:s28+$0x0] =	vst v13  }
0xc7: {  	v13 =	vld [tilespmem:s29+$0xFFFFFFF0]  }
0xc8: {  	v14 =	vld [tilespmem:s29+$0x30];
	_ =	sdelay $0x4  }
0xc9: {  	s3 =	simm.s32 $0x2;
	s2 =	simm.s32 $0x8;
	s0 =	simm.s32 $0x1A020;
	v11 =	vmul.f32 v13, v11;
	v12 =	vmul.f32 v14, v12  }
.LBB2_4:
0xca: {  	s28 =	sadd.s32 $0x40, s28  }
0xcb: {  	v13 =	vmov s2;
	s29 =	sadd.s32 $0x80, s29;
	s2 =	smov.u32 s3;
	s1 =	sadd.s32 $0x1, s3  }
0xcc: {  	p0 =	sne.s32 s3, $0x3F;
	v14 =	vor.u32 $0x1, v13;
	v11 =	vadd.f32 v12, v11;
	_ =	sdelay $0x1  }
0xcd: {  	[tilespmem:s0+$0x10] =	vst v11;
	s0 =	smov.u32 s28  }
0xce: {  	v11 =	vld [tilespmem:s29+$0x0]  }
0xcf: {  	v12 =	vld.idx.msk [tilespmem:v13+s20+$0x0], $0xffff  }
0xd0: {  	v13 =	vld.idx.msk [tilespmem:v14+s20+$0x0], $0xffff  }
0xd1: {  	v14 =	vld [tilespmem:s29+$0xFFFFFFC0];
	_ =	sdelay $0x4  }
0xd2: {  	v11 =	vmul.f32 v11, v13;
	v14 =	vmul.f32 v14, v12;
	_ =	sdelay $0x1  }
0xd3: {  	v11 =	vadd.f32 v11, v14;
	_ =	sdelay $0x1  }
0xd4: {  	[tilespmem:s28+$0xFFFFFFE0] =	vst v11  }
0xd5: {  	v11 =	vld [tilespmem:s29+$0xFFFFFFD0]  }
0xd6: {  	v14 =	vld [tilespmem:s29+$0x10];
	_ =	sdelay $0x3  }
0xd7: {  	v11 =	vmul.f32 v11, v12  }
0xd8: {  	v14 =	vmul.f32 v14, v13;
	_ =	sdelay $0x1  }
0xd9: {  	v11 =	vadd.f32 v14, v11;
	_ =	sdelay $0x1  }
0xda: {  	[tilespmem:s28+$0xFFFFFFF0] =	vst v11  }
0xdb: {  	v11 =	vld [tilespmem:s29+$0xFFFFFFE0]  }
0xdc: {  	v14 =	vld [tilespmem:s29+$0x20];
	_ =	sdelay $0x3  }
0xdd: {  	v11 =	vmul.f32 v11, v12  }
0xde: {  	v14 =	vmul.f32 v14, v13;
	_ =	sdelay $0x1  }
0xdf: {  	v11 =	vadd.f32 v14, v11;
	_ =	sdelay $0x1  }
0xe0: {  	[tilespmem:s28+$0x0] =	vst v11  }
0xe1: {  	v11 =	vld [tilespmem:s29+$0xFFFFFFF0]  }
0xe2: {  	v14 =	vld [tilespmem:s29+$0x30]  }
.Ltmp1:
0xe3: {  	(pc) =	sbr.rel @p0 .LBB2_4-.Ltmp1, $3  }
0xe4: {  	_ =	sdelay $0x1  }
0xe5: {  	v11 =	vmul.f32 v11, v12  }
0xe6: {  	s2 =	sshll.u32 s2, $0x3;
	s3 =	smov.u32 s1;
	v12 =	vmul.f32 v14, v13  }
0xe7: {  	_ = 	snop  }
0xe8: {  	v13 =	vmov s2;
	v11 =	vadd.f32 v12, v11  }
0xe9: {  	v14 =	vor.u32 $0x1, v13  }
0xea: {  	s1 =	sadd.s32 $0x80, s29;
	[tilespmem:s0+$0x10] =	vst v11  }
0xeb: {  	v11 =	vld [tilespmem:s1+$0x0]  }
0xec: {  	v59 =	vld [tilespmem:s1+$0xFFFFFFC0]  }
0xed: {  	v57 =	vld.idx.msk [tilespmem:v13+s20+$0x0], $0xffff  }
0xee: {  	v58 =	vld.idx.msk [tilespmem:v14+s20+$0x0], $0xffff;
	_ =	sdelay $0x4  }
0xef: {  	v14 =	vmul.f32 v59, v57;
	v11 =	vmul.f32 v11, v58;
	_ =	sdelay $0x1  }
0xf0: {  	v11 =	vadd.f32 v11, v14  }
0xf1: {  	s22 =	sadd.s32 $0x40, s28  }
0xf2: {  	[tilespmem:s22+$0xFFFFFFE0] =	vst v11  }
0xf3: {  	v11 =	vld [tilespmem:s1+$0xFFFFFFD0]  }
0xf4: {  	v60 =	vld [tilespmem:s1+$0x10];
	_ =	sdelay $0x4  }
0xf5: {  	v11 =	vmul.f32 v11, v57;
	v14 =	vmul.f32 v60, v58;
	_ =	sdelay $0x1  }
0xf6: {  	v11 =	vadd.f32 v14, v11;
	_ =	sdelay $0x1  }
0xf7: {  	[tilespmem:s22+$0xFFFFFFF0] =	vst v11  }
0xf8: {  	v11 =	vld [tilespmem:s1+$0xFFFFFFE0]  }
0xf9: {  	v61 =	vld [tilespmem:s1+$0x20];
	_ =	sdelay $0x4  }
0xfa: {  	v11 =	vmul.f32 v11, v57;
	v14 =	vmul.f32 v61, v58;
	_ =	sdelay $0x1  }
0xfb: {  	v11 =	vadd.f32 v14, v11;
	_ =	sdelay $0x1  }
0xfc: {  	[tilespmem:s22+$0x0] =	vst v11  }
0xfd: {  	v11 =	vld [tilespmem:s1+$0xFFFFFFF0]  }
0xfe: {  	v62 =	vld [tilespmem:s1+$0x30];
	_ =	sdelay $0x4  }
0xff: {  	v11 =	vmul.f32 v11, v57;
	v63 =	vmul.f32 v62, v58;
	_ =	sdelay $0x1  }
0x100: {  	v11 =	vadd.f32 v63, v11;
	_ =	sdelay $0x1  }
0x101: {  	s23 =	rddreg [dreg:$0xc];
	[tilespmem:s22+$0x10] =	vst v11  }
0x102: {  	[spmem:s23] =	stream.linear.scatter [tilespmem:s9], [sflag:$0x2], $0x1000, $0x38;
	[tilespmem:$0x1E680] =	vst v63  }
0x103: {  	_ =	swait.ge [sflag:s10], $0x1000  }
0x104: {  	[sflag:s10] =	ssyncset.done $0x0  }
0x105: {  	[sflag:s10] =	ssyncadd.s32 $0xFFFFF000  }
0x106: {  	[bflag:$0x0] =	sbarrier.arrive $0xFFFF  }
0x107: {  	s24 =	simm.s32 $0x0;
	s26 =	rddreg [dreg:$0x4]  }
0x108: {  	[tilespmem:s24], [sflag:$0x2] =	stream.linear.gather [spmem:s26], $0x10000, $0x38;
	[tilespmem:$0x1E680] =	vst v63  }
0x109: {  	_ =	swait.ge [sflag:s10], $0x10000  }
0x10a: {  	[sflag:s10] =	ssyncset.done $0x0  }
0x10b: {  	s31 =	simm.s32 $0x1B000;
	s28 =	rddreg [dreg:$0xd];
	[sflag:s10] =	ssyncadd.s32 $0xFFFF0000  }
0x10c: {  	[tilespmem:s31], [sflag:$0x2] =	stream.linear.gather [hbm4b:s28+s24], $0x200, $0x38;
	[tilespmem:$0x1E680] =	vst v63  }
0x10d: {  	_ =	swait.ge [sflag:s10], $0x200  }
0x10e: {  	s25 =	simm.s32 $0x0;
	[sflag:s10] =	ssyncset.done $0x0  }
0x10f: {  	s29 =	simm.s32 $0x10000;
	s30 =	simm.s32 $0x0;
	[sflag:s10] =	ssyncadd.s32 $0xFFFFFE00  }
.LBB2_6:
0x110: {  	s0 =	sshll.u32 s30, $0x4  }
0x111: {  	v11 =	vld [tilespmem:s0+$0x1B000];
	_ =	sdelay $0x4  }
0x112: {  	v11 =	vmul.u32 $0xF4243, v11;
	_ =	sdelay $0x1  }
0x113: {  	v11 =	vadd.s32 $0x3039, v11  }
0x114: {  	(v2sf) =	vpush v11, $0xD;
	_ =	sdelay $0x1  }
0x115: {  	(v2sf) =	vpush v11, $0xC;
	_ =	sdelay $0x1  }
0x116: {  	(v2sf) =	vpush v11, $0xE;
	_ =	sdelay $0x1  }
0x117: {  	(v2sf) =	vpush v11, $0xF;
	_ =	sdelay $0x1  }
0x118: {  	(v2sf) =	vpush v11, $0x9;
	_ =	sdelay $0x1  }
0x119: {  	(v2sf) =	vpush v11, $0x8;
	_ =	sdelay $0x1  }
0x11a: {  	(v2sf) =	vpush v11, $0xA;
	_ =	sdelay $0x1  }
0x11b: {  	(v2sf) =	vpush v11, $0xB  }
0x11c: {  	s31 =	spop (v2sf)  }
0x11d: {  	(v2sf) =	vpush v11, $0x0;
	s1 =	smulhi.u32 $0x10624DD3, s31;
	s0 =	sshra.s32 s31, $0x1F  }
0x11e: {  	(v2sf) =	vpush v11, $0x1;
	s2 =	spop (v2sf);
	s0 =	smul.u32 $0x10624DD3, s0  }
0x11f: {  	(v2sf) =	vpush v11, $0x2;
	s3 =	smulhi.u32 $0x10624DD3, s2;
	s2 =	sshra.s32 s2, $0x1F  }
0x120: {  	s5 =	spop (v2sf);
	s2 =	smul.u32 $0x10624DD3, s2  }
0x121: {  	(v2sf) =	vpush v11, $0x3;
	s7 =	smulhi.u32 $0x10624DD3, s5;
	s5 =	sshra.s32 s5, $0x1F  }
0x122: {  	(v2sf) =	vpush v11, $0x4;
	s6 =	spop (v2sf);
	s5 =	smul.u32 $0x10624DD3, s5  }
0x123: {  	(v2sf) =	vpush v11, $0x5;
	s31 =	smulhi.u32 $0x10624DD3, s6;
	s6 =	sshra.s32 s6, $0x1F  }
0x124: {  	(v2sf) =	vpush v11, $0x6;
	s8 =	spop (v2sf);
	s6 =	smul.u32 $0x10624DD3, s6  }
0x125: {  	(v2sf) =	vpush v11, $0x7;
	s9 =	smulhi.u32 $0x10624DD3, s8;
	s8 =	sshra.s32 s8, $0x1F  }
0x126: {  	s16 =	spop (v2sf);
	s8 =	smul.u32 $0x10624DD3, s8  }
0x127: {  	s1 =	sadd.s32 s0, s1;
	s12 =	smulhi.u32 $0x10624DD3, s16;
	s16 =	sshra.s32 s16, $0x1F  }
0x128: {  	s3 =	sadd.s32 s2, s3;
	s17 =	spop (v2sf);
	s16 =	smul.u32 $0x10624DD3, s16  }
0x129: {  	s28 =	sshrl.u32 s3, $0x1F;
	s22 =	smulhi.u32 $0x10624DD3, s17;
	s17 =	sshra.s32 s17, $0x1F  }
0x12a: {  	s3 =	sshra.s32 s3, $0x6;
	s10 =	spop (v2sf);
	s15 =	smul.u32 $0x10624DD3, s17  }
0x12b: {  	s0 =	sadd.s32 s6, s31;
	s26 =	smulhi.u32 $0x10624DD3, s10;
	s10 =	sshra.s32 s10, $0x1F  }
0x12c: {  	s18 =	spop (v2sf);
	s8 =	sadd.s32 s8, s9;
	s10 =	smul.u32 $0x10624DD3, s10  }
0x12d: {  	s11 =	spop (v2sf);
	s21 =	smulhi.u32 $0x10624DD3, s18;
	s2 =	sshra.s32 s18, $0x1F  }
0x12e: {  	s18 =	sshrl.u32 s1, $0x1F;
	s13 =	spop (v2sf);
	s24 =	smul.u32 $0x10624DD3, s2  }
0x12f: {  	s2 =	sadd.s32 s5, s7;
	s7 =	smulhi.u32 $0x10624DD3, s11;
	s5 =	sshra.s32 s11, $0x1F  }
0x130: {  	s16 =	sadd.s32 s16, s12;
	s14 =	spop (v2sf);
	s31 =	smul.u32 $0x10624DD3, s5  }
0x131: {  	s9 =	smulhi.u32 $0x10624DD3, s13;
	s6 =	sshra.s32 s13, $0x1F;
	s23 =	spop (v2sf)  }
0x132: {  	s12 =	smul.u32 $0x10624DD3, s6;
	s6 =	sadd.s32 s15, s22;
	s19 =	spop (v2sf)  }
0x133: {  	s15 =	smulhi.u32 $0x10624DD3, s14;
	s14 =	sshra.s32 s14, $0x1F;
	s17 =	spop (v2sf)  }
0x134: {  	s5 =	sadd.s32 s10, s26;
	s10 =	smul.u32 $0x10624DD3, s14;
	s26 =	spop (v2sf)  }
0x135: {  	s1 =	sshra.s32 s1, $0x6;
	s22 =	smulhi.u32 $0x10624DD3, s26;
	s14 =	sshra.s32 s26, $0x1F  }
0x136: {  	s11 =	sshrl.u32 s2, $0x1F;
	s26 =	sadd.s32 s31, s7;
	s7 =	smul.u32 $0x10624DD3, s14  }
0x137: {  	s13 =	sshrl.u32 s0, $0x1F;
	s21 =	sadd.s32 s24, s21;
	s9 =	sadd.s32 s12, s9  }
0x138: {  	v13 =	vmov s28;
	s12 =	smulhi.u32 $0x10624DD3, s23;
	s31 =	sshra.s32 s23, $0x1F;
	s7 =	sadd.s32 s7, s22  }
0x139: {  	v13 =	vsel vm2, s18, v13;
	s24 =	sshrl.u32 s8, $0x1F;
	s14 =	smul.u32 $0x10624DD3, s31;
	s31 =	sshra.s32 s7, $0x1F  }
0x13a: {  	v13 =	vsel vm4, s11, v13;
	s10 =	sadd.s32 s10, s15;
	s15 =	sshra.s32 s21, $0x6;
	s11 =	sshrl.u32 s9, $0x1F;
	v12 =	vmov s31  }
0x13b: {  	vm1 =	vcmask $0x704;
	s23 =	sshrl.u32 s16, $0x1F;
	s31 =	sshrl.u32 s21, $0x1F;
	s21 =	sshra.s32 s21, $0x1F;
	v12 =	vsel vm0, s15, v12  }
0x13c: {  	s18 =	smulhi.u32 $0x10624DD3, s19;
	s19 =	sshra.s32 s19, $0x1F;
	s28 =	sshra.s32 s26, $0x6;
	v15 =	vmov s23;
	v12 =	vsel vm1, s21, v12  }
0x13d: {  	s19 =	smul.u32 $0x10624DD3, s19;
	v15 =	vsel vm2, s24, v15;
	s24 =	sshra.s32 s10, $0x1F;
	v14 =	vmov s31;
	s31 =	sshra.s32 s26, $0x1F;
	v12 =	vsel vm2, s28, v12  }
0x13e: {  	v13 =	vsel vm6, s13, v13;
	s22 =	sshrl.u32 s6, $0x1F;
	s12 =	sadd.s32 s14, s12;
	v12 =	vsel vm5, s31, v12;
	s31 =	sshra.s32 s9, $0x6  }
0x13f: {  	s14 =	sshrl.u32 s5, $0x1F;
	v15 =	vsel vm4, s22, v15;
	s15 =	sshrl.u32 s26, $0x1F;
	v14 =	vnsel vm0, $0x0, v14;
	s9 =	sshra.s32 s9, $0x1F;
	v12 =	vsel vm4, s31, v12  }
0x140: {  	v15 =	vsel vm6, s14, v15;
	s26 =	smulhi.u32 $0x10624DD3, s17;
	s21 =	sshra.s32 s10, $0x6;
	v14 =	vsel vm2, s15, v14;
	s28 =	sshra.s32 s17, $0x1F;
	v12 =	vsel vm7, s9, v12  }
0x141: {  	s14 =	sshra.s32 s12, $0x1F;
	v13 =	vcombine.low v15, v13;
	s17 =	sshrl.u32 s10, $0x1F;
	v14 =	vsel vm4, s11, v14;
	s15 =	smul.u32 $0x10624DD3, s28;
	v12 =	vsel vm6, s21, v12  }
0x142: {  	v15 =	vmov s3;
	s11 =	sadd.s32 s19, s18;
	s19 =	sshrl.u32 s12, $0x1F;
	s28 =	sshra.s32 s12, $0x6;
	v14 =	vsel vm6, s17, v14;
	v12 =	vsel vm9, s24, v12  }
0x143: {  	v15 =	vsel vm2, s1, v15;
	s23 =	sshrl.u32 s11, $0x1F;
	s31 =	sshra.s32 s16, $0x6;
	s17 =	sshra.s32 s2, $0x6;
	v14 =	vsel vm8, s19, v14;
	v12 =	vsel vm8, s28, v12  }
0x144: {  	s16 =	sshra.s32 s11, $0x6;
	s13 =	sadd.s32 s15, s26;
	s15 =	sshra.s32 s8, $0x6;
	v16 =	vmov s31;
	v15 =	vsel vm4, s17, v15;
	v12 =	vsel vm11, s14, v12  }
0x145: {  	s0 =	sshra.s32 s0, $0x6;
	s18 =	sshra.s32 s6, $0x6;
	s19 =	sshra.s32 s11, $0x1F;
	v14 =	vsel vm10, s23, v14;
	v16 =	vsel vm2, s15, v16;
	v12 =	vsel vm10, s16, v12  }
0x146: {  	s26 =	sshrl.u32 s13, $0x1F;
	s21 =	sshra.s32 s5, $0x6;
	s22 =	sshra.s32 s13, $0x6;
	v15 =	vsel vm6, s0, v15;
	v16 =	vsel vm4, s18, v16;
	v12 =	vsel vm13, s19, v12  }
0x147: {  	s23 =	sshrl.u32 s7, $0x1F;
	v14 =	vsel vm12, s26, v14;
	s24 =	sshra.s32 s13, $0x1F;
	v16 =	vsel vm6, s21, v16;
	v12 =	vsel vm12, s22, v12  }
0x148: {  	s26 =	sshra.s32 s7, $0x6;
	v14 =	vsel vm14, s23, v14;
	v15 =	vcombine.low v16, v15;
	v12 =	vsel vm3, s24, v12  }
0x149: {  	v13 =	vperm.xlane v13, v9;
	v14 =	vperm.xlane v14, v10;
	v12 =	vsel vm14, s26, v12  }
0x14a: {  	v15 =	vperm.xlane v15, v9;
	v12 =	vperm.xlane v12, v10;
	_ =	sdelay $0x1  }
0x14b: {  	v13 =	vsel vm15, v14, v13;
	v12 =	vsel vm15, v12, v15  }
0x14c: {  	v12 =	vadd.s32 v13, v12  }
0x14d: {  	v12 =	vmul.u32 $0x3E8, v12;
	_ =	sdelay $0x1  }
0x14e: {  	v11 =	vsub.s32 v11, v12;
	v12 =	vmov s25  }
0x14f: {  	v13 =	vshll.u32 v11, $0x6;
	v12 =	vand.u32 $0x3F, v12  }
0x150: {  	vm1 =	vlt.s32 v11, $0x0;
	v11 =	vadd.s32 $0xFA00, v13;
	v12 =	vbroadcast v12, $0x0  }
0x151: {  	v11 =	vsel vm1, v11, v13  }
0x152: {  	v12 =	vor.u32 v11, v12  }
0x153: {  	s28 =	simm.s32 $0x1  }
0x154: {  	v13 =	vmov s28  }
0x155: {  	v13 =	vand.u32 $0x3F, v13  }
0x156: {  	v14 =	vbroadcast v13, $0x0  }
0x157: {  	v13 =	vld.idx.msk [tilespmem:v12+s4+$0x0], $0xffff  }
0x158: {  	v12 =	vor.u32 v11, v14;
	_ =	sdelay $0x1  }
0x159: {  	s31 =	simm.s32 $0x2  }
0x15a: {  	s1 =	simm.s32 $0x3;
	s0 =	smov.u32 s29;
	v14 =	vmov s31  }
.LBB2_7:
0x15b: {  	p0 =	sne.s32 s1, $0x3F;
	v14 =	vand.u32 $0x3F, v14;
	[tilespmem:s0+$0x0] =	vst v13  }
0x15c: {  	v14 =	vbroadcast v14, $0x0;
	v13 =	vld.idx.msk [tilespmem:v12+s4+$0x0], $0xffff  }
.Ltmp2:
0x15d: {  	(pc) =	sbr.rel @p0 .LBB2_7-.Ltmp2, $2  }
0x15e: {  	v12 =	vor.u32 v11, v14;
	_ =	sdelay $0x2  }
0x15f: {  	s0 =	sadd.s32 $0x200, s0;
	v14 =	vmov s1;
	s1 =	sadd.s32 $0x1, s1  }
0x160: {  	_ =	sdelay $0x1  }
0x161: {  	v14 =	vand.u32 $0x3F, v14  }
0x162: {  	[tilespmem:s0+$0x0] =	vst v13;
	v63 =	vbroadcast v14, $0x0  }
0x163: {  	v12 =	vld.idx.msk [tilespmem:v12+s4+$0x0], $0xffff  }
0x164: {  	v11 =	vor.u32 v11, v63;
	_ =	sdelay $0x2  }
0x165: {  	s31 =	sadd.s32 $0x200, s0  }
0x166: {  	s30 =	sadd.s32 $0x1, s30;
	[tilespmem:s31+$0x0] =	vst v12  }
0x167: {  	p0 =	sne.s32 s30, $0x20;
	v11 =	vld.idx.msk [tilespmem:v11+s4+$0x0], $0xffff  }
.Ltmp3:
0x168: {  	_ = 	snop;
	(pc) =	sbr.rel @p0 .LBB2_6-.Ltmp3, $3  }
0x169: {  	_ =	sdelay $0x1  }
0x16a: {  	s0 =	sadd.s32 $0x200, s31  }
0x16b: {  	s29 =	sadd.s32 $0x10, s29;
	[tilespmem:s0+$0x0] =	vst v11  }
0x16c: {  	s2 =	simm.s32 $0x0;
	s0 =	rddreg [dreg:$0x5];
	s3 =	simm.s32 $0x2  }
0x16d: {  	[tilespmem:s2], [sflag:$0x2] =	stream.linear.gather [spmem:s0], $0x10000, $0x38;
	[tilespmem:$0x1E680] =	vst v63  }
0x16e: {  	_ =	swait.ge [sflag:s3], $0x10000  }
0x16f: {  	[sflag:s3] =	ssyncset.done $0x0  }
0x170: {  	s1 =	simm.s32 $0x1B000;
	s29 =	rddreg [dreg:$0xe];
	[sflag:s3] =	ssyncadd.s32 $0xFFFF0000  }
0x171: {  	[tilespmem:s1], [sflag:$0x2] =	stream.linear.gather [hbm4b:s29+s2], $0x200, $0x38;
	[tilespmem:$0x1E680] =	vst v63  }
0x172: {  	_ =	swait.ge [sflag:s3], $0x200  }
0x173: {  	[sflag:s3] =	ssyncset.done $0x0  }
0x174: {  	s31 =	simm.s32 $0x1B200;
	s30 =	rddreg [dreg:$0xf];
	[sflag:s3] =	ssyncadd.s32 $0xFFFFFE00  }
0x175: {  	[tilespmem:s31], [sflag:$0x2] =	stream.linear.gather [hbm4b:s30+s2], $0x800, $0x38;
	[tilespmem:$0x1E680] =	vst v63  }
0x176: {  	_ =	swait.ge [sflag:s3], $0x800  }
0x177: {  	[sflag:s3] =	ssyncset.done $0x0  }
0x178: {  	s2 =	simm.s32 $0x10000;
	[sflag:s3] =	ssyncadd.s32 $0xFFFFF800;
	s3 =	simm.s32 $0x0  }
.LBB2_10:
0x179: {  	s1 =	sshll.u32 s3, $0x4  }
0x17a: {  	v11 =	vld [tilespmem:s1+$0x1B000];
	_ =	sdelay $0x4  }
0x17b: {  	v11 =	vmul.u32 $0xF4243, v11;
	_ =	sdelay $0x1  }
0x17c: {  	v12 =	vadd.s32 $0x3039, v11  }
0x17d: {  	(v2sf) =	vpush v12, $0xD;
	_ =	sdelay $0x1  }
0x17e: {  	(v2sf) =	vpush v12, $0xC;
	_ =	sdelay $0x1  }
0x17f: {  	(v2sf) =	vpush v12, $0xE;
	_ =	sdelay $0x1  }
0x180: {  	(v2sf) =	vpush v12, $0xF;
	_ =	sdelay $0x1  }
0x181: {  	(v2sf) =	vpush v12, $0x9;
	_ =	sdelay $0x1  }
0x182: {  	(v2sf) =	vpush v12, $0x8;
	_ =	sdelay $0x1  }
0x183: {  	(v2sf) =	vpush v12, $0xA;
	_ =	sdelay $0x1  }
0x184: {  	(v2sf) =	vpush v12, $0xB  }
0x185: {  	s0 =	spop (v2sf)  }
0x186: {  	(v2sf) =	vpush v12, $0x0;
	s31 =	smulhi.u32 $0x10624DD3, s0;
	s0 =	sshra.s32 s0, $0x1F  }
0x187: {  	s30 =	spop (v2sf);
	s0 =	smul.u32 $0x10624DD3, s0  }
0x188: {  	[dreg:$0x13] =	wrdreg s2;
	(v2sf) =	vpush v12, $0x1;
	s7 =	smulhi.u32 $0x10624DD3, s30;
	s2 =	sshra.s32 s30, $0x1F  }
0x189: {  	(v2sf) =	vpush v12, $0x2;
	s5 =	spop (v2sf);
	s2 =	smul.u32 $0x10624DD3, s2  }
0x18a: {  	s10 =	smulhi.u32 $0x10624DD3, s5;
	s5 =	sshra.s32 s5, $0x1F  }
0x18b: {  	(v2sf) =	vpush v12, $0x3;
	s6 =	spop (v2sf);
	s5 =	smul.u32 $0x10624DD3, s5  }
0x18c: {  	(v2sf) =	vpush v12, $0x4;
	s13 =	smulhi.u32 $0x10624DD3, s6;
	s6 =	sshra.s32 s6, $0x1F  }
0x18d: {  	(v2sf) =	vpush v12, $0x5;
	s8 =	spop (v2sf);
	s6 =	smul.u32 $0x10624DD3, s6  }
0x18e: {  	(v2sf) =	vpush v12, $0x6;
	s15 =	smulhi.u32 $0x10624DD3, s8;
	s8 =	sshra.s32 s8, $0x1F  }
0x18f: {  	(v2sf) =	vpush v12, $0x7;
	s9 =	spop (v2sf);
	s8 =	smul.u32 $0x10624DD3, s8  }
0x190: {  	[dreg:$0x14] =	wrdreg s3;
	s21 =	smulhi.u32 $0x10624DD3, s9;
	s9 =	sshra.s32 s9, $0x1F  }
0x191: {  	s0 =	sadd.s32 s0, s31;
	s11 =	spop (v2sf);
	s9 =	smul.u32 $0x10624DD3, s9  }
0x192: {  	s28 =	sshrl.u32 s0, $0x1F;
	s24 =	smulhi.u32 $0x10624DD3, s11;
	s11 =	sshra.s32 s11, $0x1F  }
0x193: {  	s3 =	sadd.s32 s2, s7;
	s12 =	spop (v2sf);
	s11 =	smul.u32 $0x10624DD3, s11  }
0x194: {  	s0 =	sshra.s32 s0, $0x6;
	s26 =	smulhi.u32 $0x10624DD3, s12;
	s12 =	sshra.s32 s12, $0x1F  }
0x195: {  	s31 =	sadd.s32 s5, s10;
	s14 =	spop (v2sf);
	s12 =	smul.u32 $0x10624DD3, s12  }
0x196: {  	s25 =	sshrl.u32 s31, $0x1F;
	s10 =	smulhi.u32 $0x10624DD3, s14;
	s7 =	sshra.s32 s14, $0x1F  }
0x197: {  	s2 =	sadd.s32 s6, s13;
	s16 =	spop (v2sf);
	s29 =	smul.u32 $0x10624DD3, s7  }
0x198: {  	s30 =	sshrl.u32 s2, $0x1F;
	s18 =	spop (v2sf);
	s13 =	smulhi.u32 $0x10624DD3, s16  }
0x199: {  	s16 =	sshra.s32 s16, $0x1F;
	s7 =	sadd.s32 s8, s15;
	s6 =	sadd.s32 s11, s24  }
0x19a: {  	s19 =	spop (v2sf);
	s8 =	smul.u32 $0x10624DD3, s16;
	s16 =	sadd.s32 s9, s21  }
0x19b: {  	s9 =	smulhi.u32 $0x10624DD3, s18;
	s18 =	sshra.s32 s18, $0x1F;
	s22 =	spop (v2sf)  }
0x19c: {  	s5 =	sadd.s32 s12, s26;
	s11 =	smul.u32 $0x10624DD3, s18;
	s23 =	spop (v2sf)  }
0x19d: {  	s12 =	smulhi.u32 $0x10624DD3, s19;
	s21 =	sshra.s32 s19, $0x1F;
	s17 =	spop (v2sf)  }
0x19e: {  	s14 =	sshrl.u32 s3, $0x1F;
	s18 =	smul.u32 $0x10624DD3, s21;
	s24 =	spop (v2sf)  }
0x19f: {  	s3 =	sshra.s32 s3, $0x6;
	s26 =	smulhi.u32 $0x10624DD3, s24;
	s19 =	sshra.s32 s24, $0x1F  }
0x1a0: {  	s15 =	sshrl.u32 s7, $0x1F;
	s10 =	sadd.s32 s29, s10;
	s29 =	smul.u32 $0x10624DD3, s19  }
0x1a1: {  	s13 =	sadd.s32 s8, s13;
	s19 =	smulhi.u32 $0x10624DD3, s22;
	s22 =	sshra.s32 s22, $0x1F  }
0x1a2: {  	v11 =	vmov s14;
	s21 =	sshrl.u32 s16, $0x1F;
	s8 =	sadd.s32 s29, s26;
	s26 =	smul.u32 $0x10624DD3, s22  }
0x1a3: {  	vm1 =	vcmask $0x704;
	v13 =	vsel vm2, s28, v11;
	s28 =	sshrl.u32 s10, $0x1F;
	s9 =	sadd.s32 s11, s9;
	s29 =	sshra.s32 s8, $0x1F  }
0x1a4: {  	v18 =	vmov s3;
	v11 =	vor.u32 s1, v0;
	s11 =	sshrl.u32 s5, $0x1F;
	s1 =	sadd.s32 s26, s19;
	v14 =	vmov s29;
	s19 =	sshra.s32 s10, $0x6  }
0x1a5: {  	v18 =	vsel vm2, s0, v18;
	v13 =	vsel vm4, s25, v13;
	s14 =	sshrl.u32 s13, $0x1F;
	s25 =	smulhi.u32 $0x10624DD3, s23;
	s10 =	sshra.s32 s10, $0x1F;
	v14 =	vsel vm0, s19, v14  }
0x1a6: {  	v15 =	vmov s28;
	v16 =	vmov s21;
	s12 =	sadd.s32 s18, s12;
	s28 =	sshrl.u32 s9, $0x1F;
	s29 =	sshra.s32 s13, $0x6;
	v14 =	vsel vm1, s10, v14  }
0x1a7: {  	v13 =	vsel vm6, s30, v13;
	v16 =	vsel vm2, s15, v16;
	s30 =	smulhi.u32 $0x10624DD3, s17;
	s24 =	sshrl.u32 s6, $0x1F;
	s13 =	sshra.s32 s13, $0x1F;
	v14 =	vsel vm2, s29, v14  }
0x1a8: {  	v15 =	vnsel vm0, $0x0, v15;
	s15 =	sshra.s32 s16, $0x6;
	s16 =	sshra.s32 s7, $0x6;
	v16 =	vsel vm4, s24, v16;
	s24 =	sshra.s32 s9, $0x6;
	v14 =	vsel vm5, s13, v14  }
0x1a9: {  	s18 =	sshra.s32 s31, $0x6;
	v15 =	vsel vm2, s14, v15;
	v19 =	vmov s15;
	s9 =	sshra.s32 s9, $0x1F;
	s22 =	sshra.s32 s17, $0x1F;
	v14 =	vsel vm4, s24, v14  }
0x1aa: {  	v18 =	vsel vm4, s18, v18;
	v15 =	vsel vm4, s28, v15;
	s14 =	smul.u32 $0x10624DD3, s22;
	s26 =	sshra.s32 s23, $0x1F;
	s29 =	sshra.s32 s12, $0x6;
	v14 =	vsel vm7, s9, v14  }
0x1ab: {  	v19 =	vsel vm2, s16, v19;
	v16 =	vsel vm6, s11, v16;
	s23 =	sshrl.u32 s12, $0x1F;
	s19 =	smul.u32 $0x10624DD3, s26;
	s12 =	sshra.s32 s12, $0x1F;
	v14 =	vsel vm6, s29, v14  }
0x1ac: {  	v13 =	vcombine.low v16, v13;
	v16 =	vshll.u32 v11, $0x2;
	s22 =	sshra.s32 s2, $0x6;
	s10 =	sadd.s32 s14, s30;
	s14 =	sshra.s32 s1, $0x6;
	v14 =	vsel vm9, s12, v14  }
0x1ad: {  	v17 =	vor.u32 $0x3, v16;
	v20 =	vor.u32 $0x2, v16;
	s26 =	sshrl.u32 s1, $0x1F;
	s1 =	sshra.s32 s1, $0x1F;
	s25 =	sadd.s32 s19, s25;
	v14 =	vsel vm8, s14, v14  }
0x1ae: {  	v18 =	vsel vm6, s22, v18;
	v15 =	vsel vm6, s23, v15;
	s19 =	sshra.s32 s6, $0x6;
	s17 =	sshra.s32 s25, $0x6;
	v14 =	vsel vm11, s1, v14  }
0x1af: {  	s23 =	sshra.s32 s5, $0x6;
	v15 =	vsel vm8, s26, v15;
	s28 =	sshrl.u32 s25, $0x1F;
	s21 =	sshra.s32 s25, $0x1F;
	v19 =	vsel vm4, s19, v19;
	v14 =	vsel vm10, s17, v14  }
0x1b0: {  	s30 =	sshrl.u32 s10, $0x1F;
	v15 =	vsel vm10, s28, v15;
	s24 =	sshra.s32 s10, $0x6;
	v19 =	vsel vm6, s23, v19;
	v14 =	vsel vm13, s21, v14  }
0x1b1: {  	s26 =	simm.s32 $0x1B200;
	s13 =	sshrl.u32 s8, $0x1F;
	s25 =	sshra.s32 s10, $0x1F;
	v15 =	vsel vm12, s30, v15;
	v18 =	vcombine.low v19, v18;
	v14 =	vsel vm12, s24, v14  }
0x1b2: {  	v17 =	vld.idx.msk [tilespmem:v17+s26+$0x0], $0xffff;
	s28 =	sshra.s32 s8, $0x6;
	v19 =	vor.u32 $0x1, v16;
	v15 =	vsel vm14, s13, v15;
	v14 =	vsel vm3, s25, v14  }
0x1b3: {  	v13 =	vperm.xlane v13, v9;
	v15 =	vperm.xlane v15, v10;
	v14 =	vsel vm14, s28, v14  }
0x1b4: {  	v16 =	vld.idx.msk [tilespmem:v16+s26+$0x0], $0xffff;
	v18 =	vperm.xlane v18, v9;
	v14 =	vperm.xlane v14, v10  }
0x1b5: {  	s29 =	simm.s32 $0x0  }
0x1b6: {  	v21 =	vmov s29;
	v15 =	vsel vm15, v15, v13;
	v14 =	vsel vm15, v14, v18  }
0x1b7: {  	v13 =	vshll.u32 v17, $0x6;
	v18 =	vand.u32 $0x38, v21;
	v14 =	vadd.s32 v15, v14;
	v15 =	vld.idx.msk [tilespmem:v19+s26+$0x0], $0xffff  }
0x1b8: {  	v20 =	vld.idx.msk [tilespmem:v20+s26+$0x0], $0xffff;
	v19 =	vand.u32 $0x7, v21;
	v17 =	vor.u32 v13, v18;
	v22 =	vmul.u32 $0x3E8, v14  }
0x1b9: {  	v23 =	vor.u32 v19, v17;
	v14 =	vshll.u32 v16, $0x6  }
0x1ba: {  	v16 =	vor.u32 v14, v18;
	v12 =	vsub.s32 v12, v22  }
0x1bb: {  	v22 =	vor.u32 v19, v16;
	v17 =	vshll.u32 v12, $0x6  }
0x1bc: {  	vm1 =	vlt.s32 v12, $0x0;
	v12 =	vadd.s32 $0xFA00, v17;
	v16 =	vshll.u32 v15, $0x6  }
0x1bd: {  	s30 =	simm.s32 $0x1;
	v17 =	vsel vm1, v12, v17;
	v12 =	vshll.u32 v20, $0x6;
	v15 =	vor.u32 v16, v18  }
0x1be: {  	v24 =	vmov s30;
	v20 =	vld.idx.msk [tilespmem:v23+s4+$0x0], $0xffff;
	v18 =	vor.u32 v12, v18;
	v23 =	vor.u32 v19, v15  }
0x1bf: {  	s2 =	rddreg [dreg:$0x13];
	v25 =	vand.u32 $0x38, v24;
	v19 =	vor.u32 v19, v18  }
0x1c0: {  	v26 =	vand.u32 $0x7, v24;
	v27 =	vor.u32 v13, v25;
	v15 =	vld [tilespmem:s2+$0x0]  }
0x1c1: {  	v30 =	vor.u32 v26, v27;
	v21 =	vand.u32 $0x3F, v21;
	v22 =	vld.idx.msk [tilespmem:v22+s4+$0x0], $0xffff  }
0x1c2: {  	v24 =	vand.u32 $0x3F, v24;
	v21 =	vor.u32 v17, v21  }
0x1c3: {  	v27 =	vor.u32 v14, v25;
	v28 =	vor.u32 v16, v25;
	v32 =	vor.u32 v12, v25;
	v25 =	vld.idx.msk [tilespmem:v23+s4+$0x0], $0xffff  }
0x1c4: {  	v31 =	vor.u32 v26, v27;
	v29 =	vor.u32 v26, v28;
	v27 =	vor.u32 v26, v32;
	v26 =	vld.idx.msk [tilespmem:v19+s4+$0x0], $0xffff  }
0x1c5: {  	s31 =	simm.s32 $0x2;
	v24 =	vor.u32 v17, v24;
	v18 =	vimm.f32 $0.0e+00;
	v20 =	vmul.f32 v20, v15  }
0x1c6: {  	v30 =	vld.idx.msk [tilespmem:v30+s4+$0x0], $0xffff;
	v32 =	vmov s31;
	v23 =	vimm.f32 $0.0e+00;
	v28 =	vmul.f32 v22, v15  }
0x1c7: {  	s0 =	sadd.s32 $0x200, s2;
	s1 =	simm.s32 $0x3;
	v21 =	vld.idx.msk [tilespmem:v21+s4+$0x0], $0xffff;
	v22 =	vimm.f32 $0.0e+00;
	v19 =	vadd.f32 v20, v18;
	v20 =	vimm.f32 $0.0e+00  }
.LBB2_11:
0x1c8: {  	p0 =	sne.s32 s1, $0x3F;
	v33 =	vand.u32 $0x38, v32;
	v34 =	vand.u32 $0x3F, v32;
	v35 =	vld [tilespmem:s0+$0x0];
	v36 =	vmul.f32 v25, v15  }
0x1c9: {  	v32 =	vand.u32 $0x7, v32;
	v39 =	vmovc v26;
	v37 =	vor.u32 v14, v33;
	v25 =	vor.u32 v13, v33;
	v38 =	vld.idx.msk [tilespmem:v31+s4+$0x0], $0xffff  }
0x1ca: {  	v26 =	vor.u32 v16, v33;
	v33 =	vor.u32 v12, v33;
	v40 =	vor.u32 v32, v25;
	v25 =	vld.idx.msk [tilespmem:v29+s4+$0x0], $0xffff  }
.Ltmp4:
0x1cb: {  	v31 =	vor.u32 v32, v37;
	v29 =	vor.u32 v32, v26;
	v26 =	vld.idx.msk [tilespmem:v27+s4+$0x0], $0xffff;
	v27 =	vor.u32 v32, v33;
	(pc) =	sbr.rel @p0 .LBB2_11-.Ltmp4, $4  }
0x1cc: {  	v32 =	vmul.f32 v21, v15;
	v33 =	vmul.f32 v39, v15;
	v21 =	vld.idx.msk [tilespmem:v24+s4+$0x0], $0xffff;
	v24 =	vor.u32 v17, v34  }
0x1cd: {  	v18 =	vadd.f32 v28, v18;
	v22 =	vadd.f32 v36, v22;
	v34 =	vmul.f32 v30, v35;
	v15 =	vmovc v35  }
0x1ce: {  	v23 =	vadd.f32 v32, v23;
	v20 =	vadd.f32 v33, v20  }
0x1cf: {  	s0 =	sadd.s32 $0x200, s0;
	v32 =	vmov s1;
	s1 =	sadd.s32 $0x1, s1;
	v28 =	vmul.f32 v38, v15;
	v30 =	vld.idx.msk [tilespmem:v40+s4+$0x0], $0xffff;
	v19 =	vadd.f32 v34, v19  }
0x1d0: {  	_ =	sdelay $0x2  }
0x1d1: {  	v33 =	vand.u32 $0x38, v32;
	v34 =	vand.u32 $0x3F, v32;
	v35 =	vld [tilespmem:s0+$0x0]  }
0x1d2: {  	v51 =	vand.u32 $0x7, v32;
	v31 =	vld.idx.msk [tilespmem:v31+s4+$0x0], $0xffff;
	v14 =	vor.u32 v14, v33;
	v17 =	vor.u32 v17, v34  }
0x1d3: {  	v29 =	vld.idx.msk [tilespmem:v29+s4+$0x0], $0xffff;
	v16 =	vor.u32 v16, v33;
	v14 =	vor.u32 v51, v14  }
0x1d4: {  	v27 =	vld.idx.msk [tilespmem:v27+s4+$0x0], $0xffff;
	v12 =	vor.u32 v12, v33;
	v16 =	vor.u32 v51, v16  }
0x1d5: {  	v24 =	vld.idx.msk [tilespmem:v24+s4+$0x0], $0xffff;
	s30 =	sadd.s32 $0x200, s0;
	v13 =	vor.u32 v13, v33;
	v12 =	vor.u32 v51, v12  }
0x1d6: {  	v25 =	vmul.f32 v25, v15;
	v53 =	vmul.f32 v26, v15;
	v52 =	vld [tilespmem:s30+$0x0];
	v13 =	vor.u32 v51, v13  }
0x1d7: {  	v11 =	vmul.u32 $0x5, v11;
	v18 =	vadd.f32 v28, v18;
	v17 =	vld.idx.msk [tilespmem:v17+s4+$0x0], $0xffff  }
0x1d8: {  	v21 =	vmul.f32 v21, v15;
	v22 =	vadd.f32 v25, v22;
	v15 =	vadd.f32 v53, v20;
	v14 =	vld.idx.msk [tilespmem:v14+s4+$0x0], $0xffff  }
0x1d9: {  	v59 =	vadd.s32 $0x1, v11;
	v60 =	vadd.s32 $0x2, v11;
	v61 =	vadd.s32 $0x3, v11;
	v16 =	vld.idx.msk [tilespmem:v16+s4+$0x0], $0xffff  }
0x1da: {  	v21 =	vadd.f32 v21, v23;
	v54 =	vmul.f32 v30, v35;
	v24 =	vmul.f32 v24, v35;
	v12 =	vld.idx.msk [tilespmem:v12+s4+$0x0], $0xffff  }
0x1db: {  	v62 =	vadd.s32 $0x4, v11;
	v55 =	vmul.f32 v31, v35;
	v56 =	vmul.f32 v29, v35;
	v13 =	vld.idx.msk [tilespmem:v13+s4+$0x0], $0xffff  }
0x1dc: {  	v57 =	vmul.f32 v27, v35;
	v21 =	vadd.f32 v24, v21;
	v17 =	vmul.f32 v17, v52  }
0x1dd: {  	s3 =	rddreg [dreg:$0x14];
	v19 =	vadd.f32 v54, v19;
	v18 =	vadd.f32 v55, v18;
	v14 =	vmul.f32 v14, v52  }
0x1de: {  	s3 =	sadd.s32 $0x1, s3;
	v58 =	vadd.f32 v56, v22;
	v16 =	vmul.f32 v16, v52;
	v17 =	vadd.f32 v17, v21  }
0x1df: {  	s31 =	simm.s32 $0x1BA00;
	p0 =	sne.s32 s3, $0x20;
	v15 =	vadd.f32 v57, v15;
	v12 =	vmul.f32 v12, v52;
	v14 =	vadd.f32 v14, v18  }
.Ltmp5:
0x1e0: {  	v13 =	vmul.f32 v13, v52;
	v16 =	vadd.f32 v16, v58;
	[tilespmem:v11+s31+$0x0] =	vst.idx.msk $0xffff, v17;
	(pc) =	sbr.rel @p0 .LBB2_10-.Ltmp5, $4  }
0x1e1: {  	v11 =	vadd.f32 v12, v15;
	[tilespmem:v59+s31+$0x0] =	vst.idx.msk $0xffff, v14  }
0x1e2: {  	v63 =	vadd.f32 v13, v19;
	[tilespmem:v60+s31+$0x0] =	vst.idx.msk $0xffff, v16  }
0x1e3: {  	[tilespmem:v61+s31+$0x0] =	vst.idx.msk $0xffff, v11  }
0x1e4: {  	s1 =	simm.s32 $0x1BA00;
	s2 =	sadd.s32 $0x10, s2;
	[tilespmem:v62+s31+$0x0] =	vst.idx.msk $0xffff, v63  }
0x1e5: {  	s0 =	rddreg [dreg:$0x10];
	s10 =	simm.s32 $0x2  }
0x1e6: {  	[hbm4b:s0+s4] =	stream.linear.scatter [tilespmem:s1], [sflag:$0x2], $0xA00, $0x38;
	[tilespmem:$0x1E680] =	vst v63  }
0x1e7: {  	_ =	swait.ge [sflag:s10], $0xA00  }
0x1e8: {  	s30 =	rddreg [dreg:$0x12]  }
0x1e9: {  	s31 =	rddreg [dreg:$0x11];
	s1 =	sadd.s32 $0x1, s30  }
0x1ea: {  	p0 =	sne.s32 s1, s31  }
.Ltmp6:
0x1eb: {  	_ = 	snop;
	(pc) =	sbr.rel @p0 .LBB2_1-.Ltmp6, $4  }
0x1ec: {  	_ = 	snop  }
0x1ed: {  	s5 =	simm.s32 $0x80  }
0x1ee: {  	s6 =	simm.s32 $0x1C400;
	s7 =	simm.s32 $0x18000;
	[sflag:s10] =	ssyncset.done $0x0  }
0x1ef: {  	s8 =	simm.s32 $0x1;
	s9 =	simm.s32 $0x1A000;
	[sflag:s10] =	ssyncadd.s32 $0xFFFFF600  }
0x1f0: {  	_ =	sfence.sel $0x180000  }
0x1f1: {  	[bflag:$0x0] =	sbarrier.arrive $0xFFFF  }
0x1f2: {  	_ =	strace $0x90000047  }
0x1f3: {  	s0 =	stileid.u32;
	[bflag:$0x2] =	sbarrier.arrive $0xFFFF  }
0x1f4: {  	p0 =	sne.s32 s0, $0x0;
	s0 =	rddreg [dreg:$0x6]  }
0x1f5: {  	s0 =	sadd.s32 @!p0 $0x100000, s0  }
0x1f6: {  	[sflag:s0] =	ssyncadd.tile.s32 @!p0 $0x1;
	_ =	shalt  }
.Lfunc_end2:
_tile_overlayer_lowered:
.L_overlay_start_2:
0x1f7: {  	(tag) =	ssettag $0x2  }
0x1f8: {  	s0 =	rddreg [dreg:$0x0];
	s2 =	stileid.u32  }
0x1f9: {  	s1 =	rddreg [dreg:$0x1];
	p0 =	sne.s32 s2, $0x0  }
0x1fa: {  	s3 =	rddreg [dreg:$0x2];
	[bflag:$0x3] =	sbarrier.arrive $0xFFFF;
	s2 =	simm.s32 @!p0 $0x1C02  }
0x1fb: {  	[timem:s3], [sflag:s2] =	dma.local @!p0 [hbm:s0], s1  }
0x1fc: {  	s0 =	simm.s32 @!p0 $0x2  }
0x1fd: {  	_ =	swait.ge @!p0 [sflag:s0], s1  }
0x1fe: {  	s1 =	ssub.s32 @!p0 $0x0, s1;
	[sflag:s0] =	ssyncset.done @!p0 $0x0  }
0x1ff: {  	[sflag:s0] =	ssyncadd.s32 @!p0 s1  }
0x200: {  	[bflag:$0x3] =	sbarrier.arrive $0xFFFF  }
0x201: {  	_ =	shalt  }

</sc_bundles>
